<compile_context>
chip_gen: v7x
topology: tpu7x:2x2x1
jax: 0.10.2.dev20260603
libtpu: 0.0.44.dev20260713+nightly
codegen_flags: <defaults>
</compile_context>

<pallas_src>
import jax
import jax.numpy as jnp
from jax import lax
from jax.experimental import pallas as pl
from jax.experimental.pallas import tpu as pltpu
from jax.experimental.pallas import tpu_sc as plsc

N = 65536
NH = 9
E = N * NH

NC, NS, L = 2, 16, 16
NPLANE = 4
NRANGE = NC * NS // NPLANE
NPR = N // NRANGE
UNROLL = 8



def _tc_table_body(lon_ref, lat_ref, clon_ref, slon_ref, cl_ref, sl_ref):
    lon = lon_ref[...]
    lat = lat_ref[...]
    clon_ref[...] = jnp.cos(lon)
    slon_ref[...] = jnp.sin(lon)
    cl_ref[...] = jnp.cos(lat)
    sl_ref[...] = jnp.sin(lat)


def _tc_table(lon, lat):
    shape2d = (N // 128, 128)
    return pl.pallas_call(
        _tc_table_body,
        out_shape=[jax.ShapeDtypeStruct(shape2d, jnp.float32)] * 4,
        name="tc_node_table",
    )(lon.reshape(shape2d), lat.reshape(shape2d))



def _sc_gather_body(clon_h, slon_h, cl_h, sl_h, adjt_h, out_h,
                    table_v, idx_v, out_v, sem_i, sem_o):
    c = lax.axis_index("c")
    s = lax.axis_index("s")
    wid = s * NC + c
    plane = wid // NRANGE
    rng = wid % NRANGE

    n0 = rng * NPR
    obase = plane * (NH * N)

    def issue_idx(j, buf):
        return pltpu.async_copy(adjt_h.at[pl.ds(j * N + n0, NPR)],
                                idx_v.at[pl.ds(buf * NPR, NPR)], sem_i)

    def issue_out(j, buf):
        return pltpu.async_copy(out_v.at[pl.ds(buf * NPR, NPR)],
                                out_h.at[pl.ds(obase + j * N + n0, NPR)],
                                sem_o)

    pend_idx = {0: issue_idx(0, 0)}

    for p, src in enumerate((clon_h, slon_h, cl_h, sl_h)):
        @pl.when(plane == p)
        def _(src=src):
            pltpu.sync_copy(src, table_v)

    pend_out = {}
    for j in range(NH):
        cur = j % 2
        if j + 1 < NH:
            pend_idx[j + 1] = issue_idx(j + 1, (j + 1) % 2)
        pend_idx.pop(j).wait()
        if j - 2 in pend_out:
            pend_out.pop(j - 2).wait()

        def body(i, _):
            base = i * (L * UNROLL)
            for u in range(UNROLL):
                o = cur * NPR + base + u * L
                iv = idx_v[pl.ds(o, L)]
                out_v[pl.ds(o, L)] = plsc.load_gather(table_v, [iv])
            return 0

        lax.fori_loop(0, NPR // (L * UNROLL), body, 0)

        pend_out[j] = issue_out(j, cur)

    for j in sorted(pend_out):
        pend_out[j].wait()


@jax.jit
def _sc_gather(clon, slon, cl, sl, adjt):
    mesh = plsc.VectorSubcoreMesh(core_axis_name="c", subcore_axis_name="s",
                                  num_cores=NC, num_subcores=NS)
    f = pl.kernel(
        _sc_gather_body,
        out_type=jax.ShapeDtypeStruct((NPLANE * NH * N,), jnp.float32),
        mesh=mesh,
        compiler_params=pltpu.CompilerParams(needs_layout_passes=False),
        scratch_types=[
            pltpu.VMEM((N,), jnp.float32),
            pltpu.VMEM((2 * NPR,), jnp.int32),
            pltpu.VMEM((2 * NPR,), jnp.float32),
            pltpu.SemaphoreType.DMA,
            pltpu.SemaphoreType.DMA,
        ],
        name="sc_nh_gather",
    )
    return f(clon, slon, cl, sl, adjt)



_ATAN_C = (0.9999772284426245, -0.33262305470171505, 0.1935418618951062,
           -0.11643035935544656, 0.0526517002056579, -0.011720885418632587)
_PI = 3.14159265358979
_PI_2 = 1.5707963267948966


def _atan_poly(t):
    t2 = t * t
    p = jnp.float32(_ATAN_C[5])
    for k in (4, 3, 2, 1, 0):
        p = p * t2 + jnp.float32(_ATAN_C[k])
    return p * t


def _fast_atan2(y, x):
    ax = jnp.abs(x)
    ay = jnp.abs(y)
    hi = jnp.maximum(ax, ay)
    lo = jnp.minimum(ax, ay)
    a = _atan_poly(lo / jnp.maximum(hi, 1e-30))
    a = jnp.where(ay > ax, jnp.float32(_PI_2) - a, a)
    a = jnp.where(x < 0, jnp.float32(_PI) - a, a)
    return jnp.where(y < 0, -a, a)


def _fast_atan2_pos(y, x):
    ax = jnp.abs(x)
    hi = jnp.maximum(ax, y)
    lo = jnp.minimum(ax, y)
    a = _atan_poly(lo / hi)
    a = jnp.where(y > ax, jnp.float32(_PI_2) - a, a)
    return jnp.where(x < 0, jnp.float32(_PI) - a, a)


def _tc_trig_body(clon2_r, slon2_r, cl2_r, sl2_r,
                  clon1_r, slon1_r, cl1_r, sl1_r, out_r):
    clon2 = clon2_r[...]
    slon2 = slon2_r[...]
    cl2 = cl2_r[...]
    sl2 = sl2_r[...]
    clon1 = clon1_r[...]
    slon1 = slon1_r[...]
    cl1 = cl1_r[...]
    sl1 = sl1_r[...]

    cosd = clon2 * clon1 + slon2 * slon1
    sind = slon2 * clon1 - clon2 * slon1
    x = cl2 * cosd
    y = cl2 * sind
    z = sl2
    xr = cl1 * x + sl1 * z
    zr = -sl1 * x + cl1 * z
    dist = _fast_atan2_pos(jnp.sqrt(y * y + zr * zr), xr)
    theta = _fast_atan2(zr, y)

    selfm = ((clon2 == clon1) & (slon2 == slon1)
             & (cl2 == cl1) & (sl2 == sl1))
    dist = jnp.where(selfm, 0.0, dist)
    theta = jnp.where(selfm, 0.0, theta)

    br = dist.shape[0]
    out_r[...] = jnp.stack([dist, theta], axis=1).reshape(1, 2 * br, 128)


_NB = N // 128
_BNB = 256
_GN = _NB // _BNB


@jax.jit
def _tc_trig(nbr, self_planes):
    nbr_specs = [
        pl.BlockSpec((_BNB, 128),
                     lambda nb, j, p=p: (p * (NH * _NB // _BNB) + j * _GN + nb, 0))
        for p in range(NPLANE)
    ]
    self_spec = pl.BlockSpec((_BNB, 128), lambda nb, j: (nb, 0))
    out_spec = pl.BlockSpec((1, 2 * _BNB, 128), lambda nb, j: (j, nb, 0))
    nbr2d = nbr.reshape(NPLANE * NH * _NB, 128)
    return pl.pallas_call(
        _tc_trig_body,
        grid=(_GN, NH),
        in_specs=nbr_specs + [self_spec] * 4,
        out_specs=out_spec,
        out_shape=jax.ShapeDtypeStruct((NH, 2 * _NB, 128), jnp.float32),
        name="tc_rel_trig",
    )(nbr2d, nbr2d, nbr2d, nbr2d, *self_planes)


def kernel(coordinates, adjc):
    lon = coordinates[:, 0]
    lat = coordinates[:, 1]
    adjt = jnp.swapaxes(adjc, 0, 1).reshape(-1)
    clon, slon, cl, sl = _tc_table(lon, lat)
    nbr = _sc_gather(*(p.reshape(N) for p in (clon, slon, cl, sl)), adjt)
    out3 = _tc_trig(nbr, (clon, slon, cl, sl))
    return (out3.reshape(NH, _NB, 2, 128)
            .transpose(1, 3, 0, 2)
            .reshape(N, NH, 2))

# --- scband reference (transcript-rebuilt; emitter-appended) ---
"""Pipeline reference for scband-multi-relative-coordinate-manager-40896678592578 (READ-ONLY COPY).

The authoritative reference and input builder live on the scoring server;
editing this copy changes nothing except your own understanding.
"""

import jax, jax.numpy as jnp
import numpy as np


def get_distance_angle(lon1, lat1, lon2, lat2, base='polar', rotate_coords=True):
    # Rotate the sphere so that the reference point (lon1, lat1) maps to (0, 0),
    # then measure great-circle distance and bearing angle in the rotated frame.
    dlon = lon2 - lon1
    x = jnp.cos(lat2) * jnp.cos(dlon)
    y = jnp.cos(lat2) * jnp.sin(dlon)
    z = jnp.sin(lat2)
    if rotate_coords:
        xr = jnp.cos(lat1) * x + jnp.sin(lat1) * z
        zr = -jnp.sin(lat1) * x + jnp.cos(lat1) * z
    else:
        xr, zr = x, z
    if base == 'polar':
        dist = jnp.arctan2(jnp.sqrt(y ** 2 + zr ** 2), xr)
        theta = jnp.arctan2(zr, y)
        return dist, theta
    else:
        lon_r = jnp.arctan2(y, xr)
        lat_r = jnp.arcsin(jnp.clip(zr, -1.0, 1.0))
        return lon_r, lat_r


def setup_inputs(seed: int = 0) -> dict:
    key = jax.random.key(seed)
    k1, k2 = jax.random.split(key)
    N = 65536  # 4 ** (zoom + 1) with zoom = 7 grid-internal; matches adjc.shape[0]
    NH = 9     # 3x3 neighborhood on the spherical grid
    lon = jax.random.uniform(k1, (N,), minval=-np.pi, maxval=np.pi)
    lat = jax.random.uniform(jax.random.fold_in(k1, 1), (N,), minval=-np.pi / 2, maxval=np.pi / 2)
    coordinates = jnp.stack([lon, lat], axis=-1).astype(jnp.float32)
    adjc = jax.random.randint(k2, (N, NH), 0, N, dtype=jnp.int32)
    # first neighbor is the node itself (standard grid adjacency layout)
    adjc = adjc.at[:, 0].set(jnp.arange(N, dtype=jnp.int32))
    return {"coordinates": coordinates, "adjc": adjc}


def reference(coordinates, adjc):
    # compute_rel_coordinates with nh_in=True, ref='out', coord_system='polar',
    # rotate_coord_system=True: for every output node gather the neighborhood
    # coordinates of the input grid and compute relative (dist, angle).
    coords_nh = jnp.take(coordinates, adjc, axis=0)  # [N, NH, 2] gather
    lon1 = coordinates[:, None, 0]
    lat1 = coordinates[:, None, 1]
    dist, theta = get_distance_angle(lon1, lat1, coords_nh[..., 0], coords_nh[..., 1], base='polar', rotate_coords=True)
    coordinates_rel = jnp.stack([dist, theta], axis=-1)  # [N, NH, 2]
    return coordinates_rel

if __name__ == "__main__":
    import jax
    _d = setup_inputs()
    print(jax.jit(kernel)(*tuple(_d.values())))

</pallas_src>

<mosaic_0001>
#map = affine_map<(d0, d1) -> (0)>
module attributes {stable_mosaic.version = 14 : i64} {
  func.func @sc_nh_gather(%arg0: i32, %arg1: i32, %arg2: memref<65536xf32, #tpu.memory_space<hbm>>, %arg3: memref<65536xf32, #tpu.memory_space<hbm>>, %arg4: memref<65536xf32, #tpu.memory_space<hbm>>, %arg5: memref<65536xf32, #tpu.memory_space<hbm>>, %arg6: memref<589824xi32, #tpu.memory_space<hbm>>, %arg7: memref<2359296xf32, #tpu.memory_space<hbm>>, %arg8: memref<65536xf32, #tpu.memory_space<vmem>>, %arg9: memref<16384xi32, #tpu.memory_space<vmem>>, %arg10: memref<16384xf32, #tpu.memory_space<vmem>>, %arg11: memref<!tpu.dma_semaphore, #tpu.memory_space<semaphore_mem>>, %arg12: memref<!tpu.dma_semaphore, #tpu.memory_space<semaphore_mem>>) attributes {dimension_semantics = [#tpu.dimension_semantics<core_parallel>, #tpu.dimension_semantics<subcore_parallel>], iteration_bounds = array<i64: 2, 16>, scalar_prefetch = 0 : i64, scratch_operands = 5 : i64, tpu.core_type = #tpu.core_type<sc_vector_subcore>, window_params = [{transform_indices = #map}, {transform_indices = #map}, {transform_indices = #map}, {transform_indices = #map}, {transform_indices = #map}, {transform_indices = #map}]} {
    %mul3A = arith.constant 2 : i32
    %mul3A_0 = arith.muli %arg1, %mul3A : i32
    %add3A = arith.addi %mul3A_0, %arg0 : i32
    %jit3A = arith.constant 8 : i32
    %div3A = arith.divsi %add3A, %jit3A : i32
    %sign3A = arith.constant 0 : i32
    %sign3A_1 = arith.cmpi sgt, %add3A, %sign3A : i32
    %sign3A_2 = arith.extui %sign3A_1 : i1 to i32
    %sign3A_3 = arith.constant 0 : i32
    %sign3A_4 = arith.cmpi slt, %add3A, %sign3A_3 : i32
    %sign3A_5 = arith.extui %sign3A_4 : i1 to i32
    %sign3A_6 = arith.subi %sign3A_2, %sign3A_5 : i32
    %sign3A_7 = arith.constant 0 : i32
    %sign3A_8 = arith.cmpi sgt, %jit3A, %sign3A_7 : i32
    %sign3A_9 = arith.extui %sign3A_8 : i1 to i32
    %sign3A_10 = arith.constant 0 : i32
    %sign3A_11 = arith.cmpi slt, %jit3A, %sign3A_10 : i32
    %sign3A_12 = arith.extui %sign3A_11 : i1 to i32
    %sign3A_13 = arith.subi %sign3A_9, %sign3A_12 : i32
    %ne3A = arith.cmpi ne, %sign3A_6, %sign3A_13 : i32
    %rem3A = arith.remsi %add3A, %jit3A : i32
    %ne3A_14 = arith.constant 0 : i32
    %ne3A_15 = arith.cmpi ne, %rem3A, %ne3A_14 : i32
    %and3A = arith.andi %ne3A, %ne3A_15 : i1
    %sub3A = arith.constant 1 : i32
    %sub3A_16 = arith.subi %div3A, %sub3A : i32
    %select_n3A = arith.select %and3A, %sub3A_16, %div3A : i32
    %jit3A_17 = arith.constant 8 : i32
    %eq3A = arith.constant 0 : i32
    %eq3A_18 = arith.cmpi eq, %jit3A_17, %eq3A : i32
    %jit3A_19 = arith.constant 1 : i32
    %select_n3A_20 = arith.select %eq3A_18, %jit3A_19, %jit3A_17 : i32
    %rem3A_21 = arith.remsi %add3A, %select_n3A_20 : i32
    %ne3A_22 = arith.constant 0 : i32
    %ne3A_23 = arith.cmpi ne, %rem3A_21, %ne3A_22 : i32
    %lt3A = arith.constant 0 : i32
    %lt3A_24 = arith.cmpi slt, %rem3A_21, %lt3A : i32
    %lt3A_25 = arith.constant 0 : i32
    %lt3A_26 = arith.cmpi slt, %select_n3A_20, %lt3A_25 : i32
    %ne3A_27 = arith.xori %lt3A_24, %lt3A_26 : i1
    %and3A_28 = arith.andi %ne3A_27, %ne3A_23 : i1
    %add3A_29 = arith.addi %rem3A_21, %select_n3A_20 : i32
    %select_n3A_30 = arith.select %and3A_28, %add3A_29, %rem3A_21 : i32
    %mul3A_31 = arith.constant 8192 : i32
    %mul3A_32 = arith.muli %select_n3A_30, %mul3A_31 : i32
    %mul3A_33 = arith.constant 589824 : i32
    %mul3A_34 = arith.muli %select_n3A, %mul3A_33 : i32
    %add3A_35 = arith.constant 0 : i32
    %add3A_36 = arith.addi %add3A_35, %mul3A_32 : i32
    %dma_start3A = arith.constant 0 : i32
    %dma_start3A_37 = tpu.memref_slice %arg9[%dma_start3A] : memref<16384xi32, #tpu.memory_space<vmem>> -> memref<8192xi32, #tpu.memory_space<vmem>>
    %dma_start3A_38 = tpu.memref_slice %arg6[%add3A_36] : memref<589824xi32, #tpu.memory_space<hbm>> -> memref<8192xi32, #tpu.memory_space<hbm>>
    %dma_start3A_39 = arith.constant 0 : i32
    %dma_start3A_40 = tpu.memref_slice %arg9[%dma_start3A_39] : memref<16384xi32, #tpu.memory_space<vmem>> -> memref<8192xi32, #tpu.memory_space<vmem>>
    %dma_start3A_41 = tpu.memref_slice %arg6[%add3A_36] : memref<589824xi32, #tpu.memory_space<hbm>> -> memref<8192xi32, #tpu.memory_space<hbm>>
    tpu.enqueue_dma source(%dma_start3A_41 : memref<8192xi32, #tpu.memory_space<hbm>>) target(%dma_start3A_40 : memref<8192xi32, #tpu.memory_space<vmem>>) target_semaphore(%arg11 : memref<!tpu.dma_semaphore, #tpu.memory_space<semaphore_mem>>)
    %eq3A_42 = arith.constant 0 : i32
    %eq3A_43 = arith.cmpi eq, %select_n3A, %eq3A_42 : i32
    %convert_element_type3A = arith.extui %eq3A_43 : i1 to i32
    %cond3A = arith.constant 0 : i32
    %cond3A_44 = arith.cmpi ne, %convert_element_type3A, %cond3A : i32
    scf.if %cond3A_44 {
      "tpu.region"() ({
        %run_scoped3A = tpu.sem_alloc : memref<!tpu.dma_semaphore, #tpu.memory_space<semaphore_mem>>
        tpu.enqueue_dma source(%arg2 : memref<65536xf32, #tpu.memory_space<hbm>>) target(%arg8 : memref<65536xf32, #tpu.memory_space<vmem>>) target_semaphore(%run_scoped3A : memref<!tpu.dma_semaphore, #tpu.memory_space<semaphore_mem>>)
        tpu.wait_dma2 semaphore(%run_scoped3A : memref<!tpu.dma_semaphore, #tpu.memory_space<semaphore_mem>>) src(%arg2 : memref<65536xf32, #tpu.memory_space<hbm>>) dst(%arg8 : memref<65536xf32, #tpu.memory_space<vmem>>)
        tpu.yield
      }) : () -> ()
    } else {
    }
    %eq3A_45 = arith.constant 1 : i32
    %eq3A_46 = arith.cmpi eq, %select_n3A, %eq3A_45 : i32
    %convert_element_type3A_47 = arith.extui %eq3A_46 : i1 to i32
    %cond3A_48 = arith.constant 0 : i32
    %cond3A_49 = arith.cmpi ne, %convert_element_type3A_47, %cond3A_48 : i32
    scf.if %cond3A_49 {
      "tpu.region"() ({
        %run_scoped3A = tpu.sem_alloc : memref<!tpu.dma_semaphore, #tpu.memory_space<semaphore_mem>>
        tpu.enqueue_dma source(%arg3 : memref<65536xf32, #tpu.memory_space<hbm>>) target(%arg8 : memref<65536xf32, #tpu.memory_space<vmem>>) target_semaphore(%run_scoped3A : memref<!tpu.dma_semaphore, #tpu.memory_space<semaphore_mem>>)
        tpu.wait_dma2 semaphore(%run_scoped3A : memref<!tpu.dma_semaphore, #tpu.memory_space<semaphore_mem>>) src(%arg3 : memref<65536xf32, #tpu.memory_space<hbm>>) dst(%arg8 : memref<65536xf32, #tpu.memory_space<vmem>>)
        tpu.yield
      }) : () -> ()
    } else {
    }
    %eq3A_50 = arith.constant 2 : i32
    %eq3A_51 = arith.cmpi eq, %select_n3A, %eq3A_50 : i32
    %convert_element_type3A_52 = arith.extui %eq3A_51 : i1 to i32
    %cond3A_53 = arith.constant 0 : i32
    %cond3A_54 = arith.cmpi ne, %convert_element_type3A_52, %cond3A_53 : i32
    scf.if %cond3A_54 {
      "tpu.region"() ({
        %run_scoped3A = tpu.sem_alloc : memref<!tpu.dma_semaphore, #tpu.memory_space<semaphore_mem>>
        tpu.enqueue_dma source(%arg4 : memref<65536xf32, #tpu.memory_space<hbm>>) target(%arg8 : memref<65536xf32, #tpu.memory_space<vmem>>) target_semaphore(%run_scoped3A : memref<!tpu.dma_semaphore, #tpu.memory_space<semaphore_mem>>)
        tpu.wait_dma2 semaphore(%run_scoped3A : memref<!tpu.dma_semaphore, #tpu.memory_space<semaphore_mem>>) src(%arg4 : memref<65536xf32, #tpu.memory_space<hbm>>) dst(%arg8 : memref<65536xf32, #tpu.memory_space<vmem>>)
        tpu.yield
      }) : () -> ()
    } else {
    }
    %eq3A_55 = arith.constant 3 : i32
    %eq3A_56 = arith.cmpi eq, %select_n3A, %eq3A_55 : i32
    %convert_element_type3A_57 = arith.extui %eq3A_56 : i1 to i32
    %cond3A_58 = arith.constant 0 : i32
    %cond3A_59 = arith.cmpi ne, %convert_element_type3A_57, %cond3A_58 : i32
    scf.if %cond3A_59 {
      "tpu.region"() ({
        %run_scoped3A = tpu.sem_alloc : memref<!tpu.dma_semaphore, #tpu.memory_space<semaphore_mem>>
        tpu.enqueue_dma source(%arg5 : memref<65536xf32, #tpu.memory_space<hbm>>) target(%arg8 : memref<65536xf32, #tpu.memory_space<vmem>>) target_semaphore(%run_scoped3A : memref<!tpu.dma_semaphore, #tpu.memory_space<semaphore_mem>>)
        tpu.wait_dma2 semaphore(%run_scoped3A : memref<!tpu.dma_semaphore, #tpu.memory_space<semaphore_mem>>) src(%arg5 : memref<65536xf32, #tpu.memory_space<hbm>>) dst(%arg8 : memref<65536xf32, #tpu.memory_space<vmem>>)
        tpu.yield
      }) : () -> ()
    } else {
    }
    %add3A_60 = arith.constant 65536 : i32
    %add3A_61 = arith.addi %add3A_60, %mul3A_32 : i32
    %dma_start3A_62 = arith.constant 8192 : i32
    %dma_start3A_63 = tpu.memref_slice %arg9[%dma_start3A_62] : memref<16384xi32, #tpu.memory_space<vmem>> -> memref<8192xi32, #tpu.memory_space<vmem>>
    %dma_start3A_64 = tpu.memref_slice %arg6[%add3A_61] : memref<589824xi32, #tpu.memory_space<hbm>> -> memref<8192xi32, #tpu.memory_space<hbm>>
    %dma_start3A_65 = arith.constant 8192 : i32
    %dma_start3A_66 = tpu.memref_slice %arg9[%dma_start3A_65] : memref<16384xi32, #tpu.memory_space<vmem>> -> memref<8192xi32, #tpu.memory_space<vmem>>
    %dma_start3A_67 = tpu.memref_slice %arg6[%add3A_61] : memref<589824xi32, #tpu.memory_space<hbm>> -> memref<8192xi32, #tpu.memory_space<hbm>>
    tpu.enqueue_dma source(%dma_start3A_67 : memref<8192xi32, #tpu.memory_space<hbm>>) target(%dma_start3A_66 : memref<8192xi32, #tpu.memory_space<vmem>>) target_semaphore(%arg11 : memref<!tpu.dma_semaphore, #tpu.memory_space<semaphore_mem>>)
    %dma_wait3A = arith.constant 0 : i32
    %dma_wait3A_68 = tpu.memref_slice %arg9[%dma_wait3A] : memref<16384xi32, #tpu.memory_space<vmem>> -> memref<8192xi32, #tpu.memory_space<vmem>>
    %dma_wait3A_69 = tpu.memref_slice %arg6[%add3A_36] : memref<589824xi32, #tpu.memory_space<hbm>> -> memref<8192xi32, #tpu.memory_space<hbm>>
    %dma_wait3A_70 = arith.constant 0 : i32
    %dma_wait3A_71 = tpu.memref_slice %arg9[%dma_wait3A_70] : memref<16384xi32, #tpu.memory_space<vmem>> -> memref<8192xi32, #tpu.memory_space<vmem>>
    %dma_wait3A_72 = tpu.memref_slice %arg6[%add3A_36] : memref<589824xi32, #tpu.memory_space<hbm>> -> memref<8192xi32, #tpu.memory_space<hbm>>
    tpu.wait_dma2 semaphore(%arg11 : memref<!tpu.dma_semaphore, #tpu.memory_space<semaphore_mem>>) src(%dma_wait3A_72 : memref<8192xi32, #tpu.memory_space<hbm>>) dst(%dma_wait3A_71 : memref<8192xi32, #tpu.memory_space<vmem>>)
    %scan3A = arith.constant 0 : i32
    %scan3A_73 = arith.constant 0 : i32
    %scan3A_74 = arith.constant 64 : i32
    %scan3A_75 = arith.addi %scan3A_73, %scan3A_74 : i32
    %scan3A_76 = arith.constant 1 : i32
    %scan3A_77 = scf.for %scan3A_374 = %scan3A_73 to %scan3A_75 step %scan3A_76 iter_args(%scan3A_375 = %scan3A) -> (i32)  : i32 {
      %mul3A_376 = arith.constant 128 : i32
      %mul3A_377 = arith.muli %scan3A_374, %mul3A_376 : i32
      %add3A_378 = arith.constant 0 : i32
      %add3A_379 = arith.addi %add3A_378, %mul3A_377 : i32
      %add3A_380 = arith.constant 0 : i32
      %add3A_381 = arith.addi %add3A_379, %add3A_380 : i32
      %get3A = arith.index_cast %add3A_381 : i32 to index
      %get3A_382 = tpu.vector_load %arg9[%get3A] {strides = array<i32>} : memref<16384xi32, #tpu.memory_space<vmem>>, vector<16xi32>,
      %gather3A = tpu.vector_load_idx %arg8[%get3A_382] : memref<65536xf32, #tpu.memory_space<vmem>>[vector<16xi32>], vector<16xf32>,
      %swap3A = arith.index_cast %add3A_381 : i32 to index
      %swap3A_383 = tpu.vector_load %arg10[%swap3A] {strides = array<i32>} : memref<16384xf32, #tpu.memory_space<vmem>>, vector<16xf32>,
      tpu.vector_store %arg10[%swap3A], %gather3A {strides = array<i32>} : memref<16384xf32, #tpu.memory_space<vmem>>, vector<16xf32>,
      %add3A_384 = arith.constant 0 : i32
      %add3A_385 = arith.addi %add3A_384, %mul3A_377 : i32
      %add3A_386 = arith.constant 16 : i32
      %add3A_387 = arith.addi %add3A_385, %add3A_386 : i32
      %get3A_388 = arith.index_cast %add3A_387 : i32 to index
      %get3A_389 = tpu.vector_load %arg9[%get3A_388] {strides = array<i32>} : memref<16384xi32, #tpu.memory_space<vmem>>, vector<16xi32>,
      %gather3A_390 = tpu.vector_load_idx %arg8[%get3A_389] : memref<65536xf32, #tpu.memory_space<vmem>>[vector<16xi32>], vector<16xf32>,
      %swap3A_391 = arith.index_cast %add3A_387 : i32 to index
      %swap3A_392 = tpu.vector_load %arg10[%swap3A_391] {strides = array<i32>} : memref<16384xf32, #tpu.memory_space<vmem>>, vector<16xf32>,
      tpu.vector_store %arg10[%swap3A_391], %gather3A_390 {strides = array<i32>} : memref<16384xf32, #tpu.memory_space<vmem>>, vector<16xf32>,
      %add3A_393 = arith.constant 0 : i32
      %add3A_394 = arith.addi %add3A_393, %mul3A_377 : i32
      %add3A_395 = arith.constant 32 : i32
      %add3A_396 = arith.addi %add3A_394, %add3A_395 : i32
      %get3A_397 = arith.index_cast %add3A_396 : i32 to index
      %get3A_398 = tpu.vector_load %arg9[%get3A_397] {strides = array<i32>} : memref<16384xi32, #tpu.memory_space<vmem>>, vector<16xi32>,
      %gather3A_399 = tpu.vector_load_idx %arg8[%get3A_398] : memref<65536xf32, #tpu.memory_space<vmem>>[vector<16xi32>], vector<16xf32>,
      %swap3A_400 = arith.index_cast %add3A_396 : i32 to index
      %swap3A_401 = tpu.vector_load %arg10[%swap3A_400] {strides = array<i32>} : memref<16384xf32, #tpu.memory_space<vmem>>, vector<16xf32>,
      tpu.vector_store %arg10[%swap3A_400], %gather3A_399 {strides = array<i32>} : memref<16384xf32, #tpu.memory_space<vmem>>, vector<16xf32>,
      %add3A_402 = arith.constant 0 : i32
      %add3A_403 = arith.addi %add3A_402, %mul3A_377 : i32
      %add3A_404 = arith.constant 48 : i32
      %add3A_405 = arith.addi %add3A_403, %add3A_404 : i32
      %get3A_406 = arith.index_cast %add3A_405 : i32 to index
      %get3A_407 = tpu.vector_load %arg9[%get3A_406] {strides = array<i32>} : memref<16384xi32, #tpu.memory_space<vmem>>, vector<16xi32>,
      %gather3A_408 = tpu.vector_load_idx %arg8[%get3A_407] : memref<65536xf32, #tpu.memory_space<vmem>>[vector<16xi32>], vector<16xf32>,
      %swap3A_409 = arith.index_cast %add3A_405 : i32 to index
      %swap3A_410 = tpu.vector_load %arg10[%swap3A_409] {strides = array<i32>} : memref<16384xf32, #tpu.memory_space<vmem>>, vector<16xf32>,
      tpu.vector_store %arg10[%swap3A_409], %gather3A_408 {strides = array<i32>} : memref<16384xf32, #tpu.memory_space<vmem>>, vector<16xf32>,
      %add3A_411 = arith.constant 0 : i32
      %add3A_412 = arith.addi %add3A_411, %mul3A_377 : i32
      %add3A_413 = arith.constant 64 : i32
      %add3A_414 = arith.addi %add3A_412, %add3A_413 : i32
      %get3A_415 = arith.index_cast %add3A_414 : i32 to index
      %get3A_416 = tpu.vector_load %arg9[%get3A_415] {strides = array<i32>} : memref<16384xi32, #tpu.memory_space<vmem>>, vector<16xi32>,
      %gather3A_417 = tpu.vector_load_idx %arg8[%get3A_416] : memref<65536xf32, #tpu.memory_space<vmem>>[vector<16xi32>], vector<16xf32>,
      %swap3A_418 = arith.index_cast %add3A_414 : i32 to index
      %swap3A_419 = tpu.vector_load %arg10[%swap3A_418] {strides = array<i32>} : memref<16384xf32, #tpu.memory_space<vmem>>, vector<16xf32>,
      tpu.vector_store %arg10[%swap3A_418], %gather3A_417 {strides = array<i32>} : memref<16384xf32, #tpu.memory_space<vmem>>, vector<16xf32>,
      %add3A_420 = arith.constant 0 : i32
      %add3A_421 = arith.addi %add3A_420, %mul3A_377 : i32
      %add3A_422 = arith.constant 80 : i32
      %add3A_423 = arith.addi %add3A_421, %add3A_422 : i32
      %get3A_424 = arith.index_cast %add3A_423 : i32 to index
      %get3A_425 = tpu.vector_load %arg9[%get3A_424] {strides = array<i32>} : memref<16384xi32, #tpu.memory_space<vmem>>, vector<16xi32>,
      %gather3A_426 = tpu.vector_load_idx %arg8[%get3A_425] : memref<65536xf32, #tpu.memory_space<vmem>>[vector<16xi32>], vector<16xf32>,
      %swap3A_427 = arith.index_cast %add3A_423 : i32 to index
      %swap3A_428 = tpu.vector_load %arg10[%swap3A_427] {strides = array<i32>} : memref<16384xf32, #tpu.memory_space<vmem>>, vector<16xf32>,
      tpu.vector_store %arg10[%swap3A_427], %gather3A_426 {strides = array<i32>} : memref<16384xf32, #tpu.memory_space<vmem>>, vector<16xf32>,
      %add3A_429 = arith.constant 0 : i32
      %add3A_430 = arith.addi %add3A_429, %mul3A_377 : i32
      %add3A_431 = arith.constant 96 : i32
      %add3A_432 = arith.addi %add3A_430, %add3A_431 : i32
      %get3A_433 = arith.index_cast %add3A_432 : i32 to index
      %get3A_434 = tpu.vector_load %arg9[%get3A_433] {strides = array<i32>} : memref<16384xi32, #tpu.memory_space<vmem>>, vector<16xi32>,
      %gather3A_435 = tpu.vector_load_idx %arg8[%get3A_434] : memref<65536xf32, #tpu.memory_space<vmem>>[vector<16xi32>], vector<16xf32>,
      %swap3A_436 = arith.index_cast %add3A_432 : i32 to index
      %swap3A_437 = tpu.vector_load %arg10[%swap3A_436] {strides = array<i32>} : memref<16384xf32, #tpu.memory_space<vmem>>, vector<16xf32>,
      tpu.vector_store %arg10[%swap3A_436], %gather3A_435 {strides = array<i32>} : memref<16384xf32, #tpu.memory_space<vmem>>, vector<16xf32>,
      %add3A_438 = arith.constant 0 : i32
      %add3A_439 = arith.addi %add3A_438, %mul3A_377 : i32
      %add3A_440 = arith.constant 112 : i32
      %add3A_441 = arith.addi %add3A_439, %add3A_440 : i32
      %get3A_442 = arith.index_cast %add3A_441 : i32 to index
      %get3A_443 = tpu.vector_load %arg9[%get3A_442] {strides = array<i32>} : memref<16384xi32, #tpu.memory_space<vmem>>, vector<16xi32>,
      %gather3A_444 = tpu.vector_load_idx %arg8[%get3A_443] : memref<65536xf32, #tpu.memory_space<vmem>>[vector<16xi32>], vector<16xf32>,
      %swap3A_445 = arith.index_cast %add3A_441 : i32 to index
      %swap3A_446 = tpu.vector_load %arg10[%swap3A_445] {strides = array<i32>} : memref<16384xf32, #tpu.memory_space<vmem>>, vector<16xf32>,
      tpu.vector_store %arg10[%swap3A_445], %gather3A_444 {strides = array<i32>} : memref<16384xf32, #tpu.memory_space<vmem>>, vector<16xf32>,
      %scan3A_447 = arith.constant 0 : i32
      scf.yield %scan3A_447 : i32
    }
    %scan3A_78 = arith.constant 64 : i32
    %add3A_79 = arith.constant 0 : i32
    %add3A_80 = arith.addi %mul3A_34, %add3A_79 : i32
    %add3A_81 = arith.addi %add3A_80, %mul3A_32 : i32
    %dma_start3A_82 = arith.constant 0 : i32
    %dma_start3A_83 = tpu.memref_slice %arg10[%dma_start3A_82] : memref<16384xf32, #tpu.memory_space<vmem>> -> memref<8192xf32, #tpu.memory_space<vmem>>
    %dma_start3A_84 = tpu.memref_slice %arg7[%add3A_81] : memref<2359296xf32, #tpu.memory_space<hbm>> -> memref<8192xf32, #tpu.memory_space<hbm>>
    %dma_start3A_85 = tpu.memref_slice %arg7[%add3A_81] : memref<2359296xf32, #tpu.memory_space<hbm>> -> memref<8192xf32, #tpu.memory_space<hbm>>
    %dma_start3A_86 = arith.constant 0 : i32
    %dma_start3A_87 = tpu.memref_slice %arg10[%dma_start3A_86] : memref<16384xf32, #tpu.memory_space<vmem>> -> memref<8192xf32, #tpu.memory_space<vmem>>
    tpu.enqueue_dma source(%dma_start3A_87 : memref<8192xf32, #tpu.memory_space<vmem>>) target(%dma_start3A_85 : memref<8192xf32, #tpu.memory_space<hbm>>) target_semaphore(%arg12 : memref<!tpu.dma_semaphore, #tpu.memory_space<semaphore_mem>>)
    %add3A_88 = arith.constant 131072 : i32
    %add3A_89 = arith.addi %add3A_88, %mul3A_32 : i32
    %dma_start3A_90 = arith.constant 0 : i32
    %dma_start3A_91 = tpu.memref_slice %arg9[%dma_start3A_90] : memref<16384xi32, #tpu.memory_space<vmem>> -> memref<8192xi32, #tpu.memory_space<vmem>>
    %dma_start3A_92 = tpu.memref_slice %arg6[%add3A_89] : memref<589824xi32, #tpu.memory_space<hbm>> -> memref<8192xi32, #tpu.memory_space<hbm>>
    %dma_start3A_93 = arith.constant 0 : i32
    %dma_start3A_94 = tpu.memref_slice %arg9[%dma_start3A_93] : memref<16384xi32, #tpu.memory_space<vmem>> -> memref<8192xi32, #tpu.memory_space<vmem>>
    %dma_start3A_95 = tpu.memref_slice %arg6[%add3A_89] : memref<589824xi32, #tpu.memory_space<hbm>> -> memref<8192xi32, #tpu.memory_space<hbm>>
    tpu.enqueue_dma source(%dma_start3A_95 : memref<8192xi32, #tpu.memory_space<hbm>>) target(%dma_start3A_94 : memref<8192xi32, #tpu.memory_space<vmem>>) target_semaphore(%arg11 : memref<!tpu.dma_semaphore, #tpu.memory_space<semaphore_mem>>)
    %dma_wait3A_96 = arith.constant 8192 : i32
    %dma_wait3A_97 = tpu.memref_slice %arg9[%dma_wait3A_96] : memref<16384xi32, #tpu.memory_space<vmem>> -> memref<8192xi32, #tpu.memory_space<vmem>>
    %dma_wait3A_98 = tpu.memref_slice %arg6[%add3A_61] : memref<589824xi32, #tpu.memory_space<hbm>> -> memref<8192xi32, #tpu.memory_space<hbm>>
    %dma_wait3A_99 = arith.constant 8192 : i32
    %dma_wait3A_100 = tpu.memref_slice %arg9[%dma_wait3A_99] : memref<16384xi32, #tpu.memory_space<vmem>> -> memref<8192xi32, #tpu.memory_space<vmem>>
    %dma_wait3A_101 = tpu.memref_slice %arg6[%add3A_61] : memref<589824xi32, #tpu.memory_space<hbm>> -> memref<8192xi32, #tpu.memory_space<hbm>>
    tpu.wait_dma2 semaphore(%arg11 : memref<!tpu.dma_semaphore, #tpu.memory_space<semaphore_mem>>) src(%dma_wait3A_101 : memref<8192xi32, #tpu.memory_space<hbm>>) dst(%dma_wait3A_100 : memref<8192xi32, #tpu.memory_space<vmem>>)
    %scan3A_102 = arith.constant 0 : i32
    %scan3A_103 = arith.constant 0 : i32
    %scan3A_104 = arith.constant 64 : i32
    %scan3A_105 = arith.addi %scan3A_103, %scan3A_104 : i32
    %scan3A_106 = arith.constant 1 : i32
    %scan3A_107 = scf.for %scan3A_374 = %scan3A_103 to %scan3A_105 step %scan3A_106 iter_args(%scan3A_375 = %scan3A_102) -> (i32)  : i32 {
      %mul3A_376 = arith.constant 128 : i32
      %mul3A_377 = arith.muli %scan3A_374, %mul3A_376 : i32
      %add3A_378 = arith.constant 8192 : i32
      %add3A_379 = arith.addi %add3A_378, %mul3A_377 : i32
      %add3A_380 = arith.constant 0 : i32
      %add3A_381 = arith.addi %add3A_379, %add3A_380 : i32
      %get3A = arith.index_cast %add3A_381 : i32 to index
      %get3A_382 = tpu.vector_load %arg9[%get3A] {strides = array<i32>} : memref<16384xi32, #tpu.memory_space<vmem>>, vector<16xi32>,
      %gather3A = tpu.vector_load_idx %arg8[%get3A_382] : memref<65536xf32, #tpu.memory_space<vmem>>[vector<16xi32>], vector<16xf32>,
      %swap3A = arith.index_cast %add3A_381 : i32 to index
      %swap3A_383 = tpu.vector_load %arg10[%swap3A] {strides = array<i32>} : memref<16384xf32, #tpu.memory_space<vmem>>, vector<16xf32>,
      tpu.vector_store %arg10[%swap3A], %gather3A {strides = array<i32>} : memref<16384xf32, #tpu.memory_space<vmem>>, vector<16xf32>,
      %add3A_384 = arith.constant 8192 : i32
      %add3A_385 = arith.addi %add3A_384, %mul3A_377 : i32
      %add3A_386 = arith.constant 16 : i32
      %add3A_387 = arith.addi %add3A_385, %add3A_386 : i32
      %get3A_388 = arith.index_cast %add3A_387 : i32 to index
      %get3A_389 = tpu.vector_load %arg9[%get3A_388] {strides = array<i32>} : memref<16384xi32, #tpu.memory_space<vmem>>, vector<16xi32>,
      %gather3A_390 = tpu.vector_load_idx %arg8[%get3A_389] : memref<65536xf32, #tpu.memory_space<vmem>>[vector<16xi32>], vector<16xf32>,
      %swap3A_391 = arith.index_cast %add3A_387 : i32 to index
      %swap3A_392 = tpu.vector_load %arg10[%swap3A_391] {strides = array<i32>} : memref<16384xf32, #tpu.memory_space<vmem>>, vector<16xf32>,
      tpu.vector_store %arg10[%swap3A_391], %gather3A_390 {strides = array<i32>} : memref<16384xf32, #tpu.memory_space<vmem>>, vector<16xf32>,
      %add3A_393 = arith.constant 8192 : i32
      %add3A_394 = arith.addi %add3A_393, %mul3A_377 : i32
      %add3A_395 = arith.constant 32 : i32
      %add3A_396 = arith.addi %add3A_394, %add3A_395 : i32
      %get3A_397 = arith.index_cast %add3A_396 : i32 to index
      %get3A_398 = tpu.vector_load %arg9[%get3A_397] {strides = array<i32>} : memref<16384xi32, #tpu.memory_space<vmem>>, vector<16xi32>,
      %gather3A_399 = tpu.vector_load_idx %arg8[%get3A_398] : memref<65536xf32, #tpu.memory_space<vmem>>[vector<16xi32>], vector<16xf32>,
      %swap3A_400 = arith.index_cast %add3A_396 : i32 to index
      %swap3A_401 = tpu.vector_load %arg10[%swap3A_400] {strides = array<i32>} : memref<16384xf32, #tpu.memory_space<vmem>>, vector<16xf32>,
      tpu.vector_store %arg10[%swap3A_400], %gather3A_399 {strides = array<i32>} : memref<16384xf32, #tpu.memory_space<vmem>>, vector<16xf32>,
      %add3A_402 = arith.constant 8192 : i32
      %add3A_403 = arith.addi %add3A_402, %mul3A_377 : i32
      %add3A_404 = arith.constant 48 : i32
      %add3A_405 = arith.addi %add3A_403, %add3A_404 : i32
      %get3A_406 = arith.index_cast %add3A_405 : i32 to index
      %get3A_407 = tpu.vector_load %arg9[%get3A_406] {strides = array<i32>} : memref<16384xi32, #tpu.memory_space<vmem>>, vector<16xi32>,
      %gather3A_408 = tpu.vector_load_idx %arg8[%get3A_407] : memref<65536xf32, #tpu.memory_space<vmem>>[vector<16xi32>], vector<16xf32>,
      %swap3A_409 = arith.index_cast %add3A_405 : i32 to index
      %swap3A_410 = tpu.vector_load %arg10[%swap3A_409] {strides = array<i32>} : memref<16384xf32, #tpu.memory_space<vmem>>, vector<16xf32>,
      tpu.vector_store %arg10[%swap3A_409], %gather3A_408 {strides = array<i32>} : memref<16384xf32, #tpu.memory_space<vmem>>, vector<16xf32>,
      %add3A_411 = arith.constant 8192 : i32
      %add3A_412 = arith.addi %add3A_411, %mul3A_377 : i32
      %add3A_413 = arith.constant 64 : i32
      %add3A_414 = arith.addi %add3A_412, %add3A_413 : i32
      %get3A_415 = arith.index_cast %add3A_414 : i32 to index
      %get3A_416 = tpu.vector_load %arg9[%get3A_415] {strides = array<i32>} : memref<16384xi32, #tpu.memory_space<vmem>>, vector<16xi32>,
      %gather3A_417 = tpu.vector_load_idx %arg8[%get3A_416] : memref<65536xf32, #tpu.memory_space<vmem>>[vector<16xi32>], vector<16xf32>,
      %swap3A_418 = arith.index_cast %add3A_414 : i32 to index
      %swap3A_419 = tpu.vector_load %arg10[%swap3A_418] {strides = array<i32>} : memref<16384xf32, #tpu.memory_space<vmem>>, vector<16xf32>,
      tpu.vector_store %arg10[%swap3A_418], %gather3A_417 {strides = array<i32>} : memref<16384xf32, #tpu.memory_space<vmem>>, vector<16xf32>,
      %add3A_420 = arith.constant 8192 : i32
      %add3A_421 = arith.addi %add3A_420, %mul3A_377 : i32
      %add3A_422 = arith.constant 80 : i32
      %add3A_423 = arith.addi %add3A_421, %add3A_422 : i32
      %get3A_424 = arith.index_cast %add3A_423 : i32 to index
      %get3A_425 = tpu.vector_load %arg9[%get3A_424] {strides = array<i32>} : memref<16384xi32, #tpu.memory_space<vmem>>, vector<16xi32>,
      %gather3A_426 = tpu.vector_load_idx %arg8[%get3A_425] : memref<65536xf32, #tpu.memory_space<vmem>>[vector<16xi32>], vector<16xf32>,
      %swap3A_427 = arith.index_cast %add3A_423 : i32 to index
      %swap3A_428 = tpu.vector_load %arg10[%swap3A_427] {strides = array<i32>} : memref<16384xf32, #tpu.memory_space<vmem>>, vector<16xf32>,
      tpu.vector_store %arg10[%swap3A_427], %gather3A_426 {strides = array<i32>} : memref<16384xf32, #tpu.memory_space<vmem>>, vector<16xf32>,
      %add3A_429 = arith.constant 8192 : i32
      %add3A_430 = arith.addi %add3A_429, %mul3A_377 : i32
      %add3A_431 = arith.constant 96 : i32
      %add3A_432 = arith.addi %add3A_430, %add3A_431 : i32
      %get3A_433 = arith.index_cast %add3A_432 : i32 to index
      %get3A_434 = tpu.vector_load %arg9[%get3A_433] {strides = array<i32>} : memref<16384xi32, #tpu.memory_space<vmem>>, vector<16xi32>,
      %gather3A_435 = tpu.vector_load_idx %arg8[%get3A_434] : memref<65536xf32, #tpu.memory_space<vmem>>[vector<16xi32>], vector<16xf32>,
      %swap3A_436 = arith.index_cast %add3A_432 : i32 to index
      %swap3A_437 = tpu.vector_load %arg10[%swap3A_436] {strides = array<i32>} : memref<16384xf32, #tpu.memory_space<vmem>>, vector<16xf32>,
      tpu.vector_store %arg10[%swap3A_436], %gather3A_435 {strides = array<i32>} : memref<16384xf32, #tpu.memory_space<vmem>>, vector<16xf32>,
      %add3A_438 = arith.constant 8192 : i32
      %add3A_439 = arith.addi %add3A_438, %mul3A_377 : i32
      %add3A_440 = arith.constant 112 : i32
      %add3A_441 = arith.addi %add3A_439, %add3A_440 : i32
      %get3A_442 = arith.index_cast %add3A_441 : i32 to index
      %get3A_443 = tpu.vector_load %arg9[%get3A_442] {strides = array<i32>} : memref<16384xi32, #tpu.memory_space<vmem>>, vector<16xi32>,
      %gather3A_444 = tpu.vector_load_idx %arg8[%get3A_443] : memref<65536xf32, #tpu.memory_space<vmem>>[vector<16xi32>], vector<16xf32>,
      %swap3A_445 = arith.index_cast %add3A_441 : i32 to index
      %swap3A_446 = tpu.vector_load %arg10[%swap3A_445] {strides = array<i32>} : memref<16384xf32, #tpu.memory_space<vmem>>, vector<16xf32>,
      tpu.vector_store %arg10[%swap3A_445], %gather3A_444 {strides = array<i32>} : memref<16384xf32, #tpu.memory_space<vmem>>, vector<16xf32>,
      %scan3A_447 = arith.constant 0 : i32
      scf.yield %scan3A_447 : i32
    }
    %scan3A_108 = arith.constant 64 : i32
    %add3A_109 = arith.constant 65536 : i32
    %add3A_110 = arith.addi %mul3A_34, %add3A_109 : i32
    %add3A_111 = arith.addi %add3A_110, %mul3A_32 : i32
    %dma_start3A_112 = arith.constant 8192 : i32
    %dma_start3A_113 = tpu.memref_slice %arg10[%dma_start3A_112] : memref<16384xf32, #tpu.memory_space<vmem>> -> memref<8192xf32, #tpu.memory_space<vmem>>
    %dma_start3A_114 = tpu.memref_slice %arg7[%add3A_111] : memref<2359296xf32, #tpu.memory_space<hbm>> -> memref<8192xf32, #tpu.memory_space<hbm>>
    %dma_start3A_115 = tpu.memref_slice %arg7[%add3A_111] : memref<2359296xf32, #tpu.memory_space<hbm>> -> memref<8192xf32, #tpu.memory_space<hbm>>
    %dma_start3A_116 = arith.constant 8192 : i32
    %dma_start3A_117 = tpu.memref_slice %arg10[%dma_start3A_116] : memref<16384xf32, #tpu.memory_space<vmem>> -> memref<8192xf32, #tpu.memory_space<vmem>>
    tpu.enqueue_dma source(%dma_start3A_117 : memref<8192xf32, #tpu.memory_space<vmem>>) target(%dma_start3A_115 : memref<8192xf32, #tpu.memory_space<hbm>>) target_semaphore(%arg12 : memref<!tpu.dma_semaphore, #tpu.memory_space<semaphore_mem>>)
    %add3A_118 = arith.constant 196608 : i32
    %add3A_119 = arith.addi %add3A_118, %mul3A_32 : i32
    %dma_start3A_120 = arith.constant 8192 : i32
    %dma_start3A_121 = tpu.memref_slice %arg9[%dma_start3A_120] : memref<16384xi32, #tpu.memory_space<vmem>> -> memref<8192xi32, #tpu.memory_space<vmem>>
    %dma_start3A_122 = tpu.memref_slice %arg6[%add3A_119] : memref<589824xi32, #tpu.memory_space<hbm>> -> memref<8192xi32, #tpu.memory_space<hbm>>
    %dma_start3A_123 = arith.constant 8192 : i32
    %dma_start3A_124 = tpu.memref_slice %arg9[%dma_start3A_123] : memref<16384xi32, #tpu.memory_space<vmem>> -> memref<8192xi32, #tpu.memory_space<vmem>>
    %dma_start3A_125 = tpu.memref_slice %arg6[%add3A_119] : memref<589824xi32, #tpu.memory_space<hbm>> -> memref<8192xi32, #tpu.memory_space<hbm>>
    tpu.enqueue_dma source(%dma_start3A_125 : memref<8192xi32, #tpu.memory_space<hbm>>) target(%dma_start3A_124 : memref<8192xi32, #tpu.memory_space<vmem>>) target_semaphore(%arg11 : memref<!tpu.dma_semaphore, #tpu.memory_space<semaphore_mem>>)
    %dma_wait3A_126 = arith.constant 0 : i32
    %dma_wait3A_127 = tpu.memref_slice %arg9[%dma_wait3A_126] : memref<16384xi32, #tpu.memory_space<vmem>> -> memref<8192xi32, #tpu.memory_space<vmem>>
    %dma_wait3A_128 = tpu.memref_slice %arg6[%add3A_89] : memref<589824xi32, #tpu.memory_space<hbm>> -> memref<8192xi32, #tpu.memory_space<hbm>>
    %dma_wait3A_129 = arith.constant 0 : i32
    %dma_wait3A_130 = tpu.memref_slice %arg9[%dma_wait3A_129] : memref<16384xi32, #tpu.memory_space<vmem>> -> memref<8192xi32, #tpu.memory_space<vmem>>
    %dma_wait3A_131 = tpu.memref_slice %arg6[%add3A_89] : memref<589824xi32, #tpu.memory_space<hbm>> -> memref<8192xi32, #tpu.memory_space<hbm>>
    tpu.wait_dma2 semaphore(%arg11 : memref<!tpu.dma_semaphore, #tpu.memory_space<semaphore_mem>>) src(%dma_wait3A_131 : memref<8192xi32, #tpu.memory_space<hbm>>) dst(%dma_wait3A_130 : memref<8192xi32, #tpu.memory_space<vmem>>)
    %dma_wait3A_132 = arith.constant 0 : i32
    %dma_wait3A_133 = tpu.memref_slice %arg10[%dma_wait3A_132] : memref<16384xf32, #tpu.memory_space<vmem>> -> memref<8192xf32, #tpu.memory_space<vmem>>
    %dma_wait3A_134 = tpu.memref_slice %arg7[%add3A_81] : memref<2359296xf32, #tpu.memory_space<hbm>> -> memref<8192xf32, #tpu.memory_space<hbm>>
    %dma_wait3A_135 = tpu.memref_slice %arg7[%add3A_81] : memref<2359296xf32, #tpu.memory_space<hbm>> -> memref<8192xf32, #tpu.memory_space<hbm>>
    %dma_wait3A_136 = arith.constant 0 : i32
    %dma_wait3A_137 = tpu.memref_slice %arg10[%dma_wait3A_136] : memref<16384xf32, #tpu.memory_space<vmem>> -> memref<8192xf32, #tpu.memory_space<vmem>>
    tpu.wait_dma2 semaphore(%arg12 : memref<!tpu.dma_semaphore, #tpu.memory_space<semaphore_mem>>) src(%dma_wait3A_137 : memref<8192xf32, #tpu.memory_space<vmem>>) dst(%dma_wait3A_135 : memref<8192xf32, #tpu.memory_space<hbm>>)
    %scan3A_138 = arith.constant 0 : i32
    %scan3A_139 = arith.constant 0 : i32
    %scan3A_140 = arith.constant 64 : i32
    %scan3A_141 = arith.addi %scan3A_139, %scan3A_140 : i32
    %scan3A_142 = arith.constant 1 : i32
    %scan3A_143 = scf.for %scan3A_374 = %scan3A_139 to %scan3A_141 step %scan3A_142 iter_args(%scan3A_375 = %scan3A_138) -> (i32)  : i32 {
      %mul3A_376 = arith.constant 128 : i32
      %mul3A_377 = arith.muli %scan3A_374, %mul3A_376 : i32
      %add3A_378 = arith.constant 0 : i32
      %add3A_379 = arith.addi %add3A_378, %mul3A_377 : i32
      %add3A_380 = arith.constant 0 : i32
      %add3A_381 = arith.addi %add3A_379, %add3A_380 : i32
      %get3A = arith.index_cast %add3A_381 : i32 to index
      %get3A_382 = tpu.vector_load %arg9[%get3A] {strides = array<i32>} : memref<16384xi32, #tpu.memory_space<vmem>>, vector<16xi32>,
      %gather3A = tpu.vector_load_idx %arg8[%get3A_382] : memref<65536xf32, #tpu.memory_space<vmem>>[vector<16xi32>], vector<16xf32>,
      %swap3A = arith.index_cast %add3A_381 : i32 to index
      %swap3A_383 = tpu.vector_load %arg10[%swap3A] {strides = array<i32>} : memref<16384xf32, #tpu.memory_space<vmem>>, vector<16xf32>,
      tpu.vector_store %arg10[%swap3A], %gather3A {strides = array<i32>} : memref<16384xf32, #tpu.memory_space<vmem>>, vector<16xf32>,
      %add3A_384 = arith.constant 0 : i32
      %add3A_385 = arith.addi %add3A_384, %mul3A_377 : i32
      %add3A_386 = arith.constant 16 : i32
      %add3A_387 = arith.addi %add3A_385, %add3A_386 : i32
      %get3A_388 = arith.index_cast %add3A_387 : i32 to index
      %get3A_389 = tpu.vector_load %arg9[%get3A_388] {strides = array<i32>} : memref<16384xi32, #tpu.memory_space<vmem>>, vector<16xi32>,
      %gather3A_390 = tpu.vector_load_idx %arg8[%get3A_389] : memref<65536xf32, #tpu.memory_space<vmem>>[vector<16xi32>], vector<16xf32>,
      %swap3A_391 = arith.index_cast %add3A_387 : i32 to index
      %swap3A_392 = tpu.vector_load %arg10[%swap3A_391] {strides = array<i32>} : memref<16384xf32, #tpu.memory_space<vmem>>, vector<16xf32>,
      tpu.vector_store %arg10[%swap3A_391], %gather3A_390 {strides = array<i32>} : memref<16384xf32, #tpu.memory_space<vmem>>, vector<16xf32>,
      %add3A_393 = arith.constant 0 : i32
      %add3A_394 = arith.addi %add3A_393, %mul3A_377 : i32
      %add3A_395 = arith.constant 32 : i32
      %add3A_396 = arith.addi %add3A_394, %add3A_395 : i32
      %get3A_397 = arith.index_cast %add3A_396 : i32 to index
      %get3A_398 = tpu.vector_load %arg9[%get3A_397] {strides = array<i32>} : memref<16384xi32, #tpu.memory_space<vmem>>, vector<16xi32>,
      %gather3A_399 = tpu.vector_load_idx %arg8[%get3A_398] : memref<65536xf32, #tpu.memory_space<vmem>>[vector<16xi32>], vector<16xf32>,
      %swap3A_400 = arith.index_cast %add3A_396 : i32 to index
      %swap3A_401 = tpu.vector_load %arg10[%swap3A_400] {strides = array<i32>} : memref<16384xf32, #tpu.memory_space<vmem>>, vector<16xf32>,
      tpu.vector_store %arg10[%swap3A_400], %gather3A_399 {strides = array<i32>} : memref<16384xf32, #tpu.memory_space<vmem>>, vector<16xf32>,
      %add3A_402 = arith.constant 0 : i32
      %add3A_403 = arith.addi %add3A_402, %mul3A_377 : i32
      %add3A_404 = arith.constant 48 : i32
      %add3A_405 = arith.addi %add3A_403, %add3A_404 : i32
      %get3A_406 = arith.index_cast %add3A_405 : i32 to index
      %get3A_407 = tpu.vector_load %arg9[%get3A_406] {strides = array<i32>} : memref<16384xi32, #tpu.memory_space<vmem>>, vector<16xi32>,
      %gather3A_408 = tpu.vector_load_idx %arg8[%get3A_407] : memref<65536xf32, #tpu.memory_space<vmem>>[vector<16xi32>], vector<16xf32>,
      %swap3A_409 = arith.index_cast %add3A_405 : i32 to index
      %swap3A_410 = tpu.vector_load %arg10[%swap3A_409] {strides = array<i32>} : memref<16384xf32, #tpu.memory_space<vmem>>, vector<16xf32>,
      tpu.vector_store %arg10[%swap3A_409], %gather3A_408 {strides = array<i32>} : memref<16384xf32, #tpu.memory_space<vmem>>, vector<16xf32>,
      %add3A_411 = arith.constant 0 : i32
      %add3A_412 = arith.addi %add3A_411, %mul3A_377 : i32
      %add3A_413 = arith.constant 64 : i32
      %add3A_414 = arith.addi %add3A_412, %add3A_413 : i32
      %get3A_415 = arith.index_cast %add3A_414 : i32 to index
      %get3A_416 = tpu.vector_load %arg9[%get3A_415] {strides = array<i32>} : memref<16384xi32, #tpu.memory_space<vmem>>, vector<16xi32>,
      %gather3A_417 = tpu.vector_load_idx %arg8[%get3A_416] : memref<65536xf32, #tpu.memory_space<vmem>>[vector<16xi32>], vector<16xf32>,
      %swap3A_418 = arith.index_cast %add3A_414 : i32 to index
      %swap3A_419 = tpu.vector_load %arg10[%swap3A_418] {strides = array<i32>} : memref<16384xf32, #tpu.memory_space<vmem>>, vector<16xf32>,
      tpu.vector_store %arg10[%swap3A_418], %gather3A_417 {strides = array<i32>} : memref<16384xf32, #tpu.memory_space<vmem>>, vector<16xf32>,
      %add3A_420 = arith.constant 0 : i32
      %add3A_421 = arith.addi %add3A_420, %mul3A_377 : i32
      %add3A_422 = arith.constant 80 : i32
      %add3A_423 = arith.addi %add3A_421, %add3A_422 : i32
      %get3A_424 = arith.index_cast %add3A_423 : i32 to index
      %get3A_425 = tpu.vector_load %arg9[%get3A_424] {strides = array<i32>} : memref<16384xi32, #tpu.memory_space<vmem>>, vector<16xi32>,
      %gather3A_426 = tpu.vector_load_idx %arg8[%get3A_425] : memref<65536xf32, #tpu.memory_space<vmem>>[vector<16xi32>], vector<16xf32>,
      %swap3A_427 = arith.index_cast %add3A_423 : i32 to index
      %swap3A_428 = tpu.vector_load %arg10[%swap3A_427] {strides = array<i32>} : memref<16384xf32, #tpu.memory_space<vmem>>, vector<16xf32>,
      tpu.vector_store %arg10[%swap3A_427], %gather3A_426 {strides = array<i32>} : memref<16384xf32, #tpu.memory_space<vmem>>, vector<16xf32>,
      %add3A_429 = arith.constant 0 : i32
      %add3A_430 = arith.addi %add3A_429, %mul3A_377 : i32
      %add3A_431 = arith.constant 96 : i32
      %add3A_432 = arith.addi %add3A_430, %add3A_431 : i32
      %get3A_433 = arith.index_cast %add3A_432 : i32 to index
      %get3A_434 = tpu.vector_load %arg9[%get3A_433] {strides = array<i32>} : memref<16384xi32, #tpu.memory_space<vmem>>, vector<16xi32>,
      %gather3A_435 = tpu.vector_load_idx %arg8[%get3A_434] : memref<65536xf32, #tpu.memory_space<vmem>>[vector<16xi32>], vector<16xf32>,
      %swap3A_436 = arith.index_cast %add3A_432 : i32 to index
      %swap3A_437 = tpu.vector_load %arg10[%swap3A_436] {strides = array<i32>} : memref<16384xf32, #tpu.memory_space<vmem>>, vector<16xf32>,
      tpu.vector_store %arg10[%swap3A_436], %gather3A_435 {strides = array<i32>} : memref<16384xf32, #tpu.memory_space<vmem>>, vector<16xf32>,
      %add3A_438 = arith.constant 0 : i32
      %add3A_439 = arith.addi %add3A_438, %mul3A_377 : i32
      %add3A_440 = arith.constant 112 : i32
      %add3A_441 = arith.addi %add3A_439, %add3A_440 : i32
      %get3A_442 = arith.index_cast %add3A_441 : i32 to index
      %get3A_443 = tpu.vector_load %arg9[%get3A_442] {strides = array<i32>} : memref<16384xi32, #tpu.memory_space<vmem>>, vector<16xi32>,
      %gather3A_444 = tpu.vector_load_idx %arg8[%get3A_443] : memref<65536xf32, #tpu.memory_space<vmem>>[vector<16xi32>], vector<16xf32>,
      %swap3A_445 = arith.index_cast %add3A_441 : i32 to index
      %swap3A_446 = tpu.vector_load %arg10[%swap3A_445] {strides = array<i32>} : memref<16384xf32, #tpu.memory_space<vmem>>, vector<16xf32>,
      tpu.vector_store %arg10[%swap3A_445], %gather3A_444 {strides = array<i32>} : memref<16384xf32, #tpu.memory_space<vmem>>, vector<16xf32>,
      %scan3A_447 = arith.constant 0 : i32
      scf.yield %scan3A_447 : i32
    }
    %scan3A_144 = arith.constant 64 : i32
    %add3A_145 = arith.constant 131072 : i32
    %add3A_146 = arith.addi %mul3A_34, %add3A_145 : i32
    %add3A_147 = arith.addi %add3A_146, %mul3A_32 : i32
    %dma_start3A_148 = arith.constant 0 : i32
    %dma_start3A_149 = tpu.memref_slice %arg10[%dma_start3A_148] : memref<16384xf32, #tpu.memory_space<vmem>> -> memref<8192xf32, #tpu.memory_space<vmem>>
    %dma_start3A_150 = tpu.memref_slice %arg7[%add3A_147] : memref<2359296xf32, #tpu.memory_space<hbm>> -> memref<8192xf32, #tpu.memory_space<hbm>>
    %dma_start3A_151 = tpu.memref_slice %arg7[%add3A_147] : memref<2359296xf32, #tpu.memory_space<hbm>> -> memref<8192xf32, #tpu.memory_space<hbm>>
    %dma_start3A_152 = arith.constant 0 : i32
    %dma_start3A_153 = tpu.memref_slice %arg10[%dma_start3A_152] : memref<16384xf32, #tpu.memory_space<vmem>> -> memref<8192xf32, #tpu.memory_space<vmem>>
    tpu.enqueue_dma source(%dma_start3A_153 : memref<8192xf32, #tpu.memory_space<vmem>>) target(%dma_start3A_151 : memref<8192xf32, #tpu.memory_space<hbm>>) target_semaphore(%arg12 : memref<!tpu.dma_semaphore, #tpu.memory_space<semaphore_mem>>)
    %add3A_154 = arith.constant 262144 : i32
    %add3A_155 = arith.addi %add3A_154, %mul3A_32 : i32
    %dma_start3A_156 = arith.constant 0 : i32
    %dma_start3A_157 = tpu.memref_slice %arg9[%dma_start3A_156] : memref<16384xi32, #tpu.memory_space<vmem>> -> memref<8192xi32, #tpu.memory_space<vmem>>
    %dma_start3A_158 = tpu.memref_slice %arg6[%add3A_155] : memref<589824xi32, #tpu.memory_space<hbm>> -> memref<8192xi32, #tpu.memory_space<hbm>>
    %dma_start3A_159 = arith.constant 0 : i32
    %dma_start3A_160 = tpu.memref_slice %arg9[%dma_start3A_159] : memref<16384xi32, #tpu.memory_space<vmem>> -> memref<8192xi32, #tpu.memory_space<vmem>>
    %dma_start3A_161 = tpu.memref_slice %arg6[%add3A_155] : memref<589824xi32, #tpu.memory_space<hbm>> -> memref<8192xi32, #tpu.memory_space<hbm>>
    tpu.enqueue_dma source(%dma_start3A_161 : memref<8192xi32, #tpu.memory_space<hbm>>) target(%dma_start3A_160 : memref<8192xi32, #tpu.memory_space<vmem>>) target_semaphore(%arg11 : memref<!tpu.dma_semaphore, #tpu.memory_space<semaphore_mem>>)
    %dma_wait3A_162 = arith.constant 8192 : i32
    %dma_wait3A_163 = tpu.memref_slice %arg9[%dma_wait3A_162] : memref<16384xi32, #tpu.memory_space<vmem>> -> memref<8192xi32, #tpu.memory_space<vmem>>
    %dma_wait3A_164 = tpu.memref_slice %arg6[%add3A_119] : memref<589824xi32, #tpu.memory_space<hbm>> -> memref<8192xi32, #tpu.memory_space<hbm>>
    %dma_wait3A_165 = arith.constant 8192 : i32
    %dma_wait3A_166 = tpu.memref_slice %arg9[%dma_wait3A_165] : memref<16384xi32, #tpu.memory_space<vmem>> -> memref<8192xi32, #tpu.memory_space<vmem>>
    %dma_wait3A_167 = tpu.memref_slice %arg6[%add3A_119] : memref<589824xi32, #tpu.memory_space<hbm>> -> memref<8192xi32, #tpu.memory_space<hbm>>
    tpu.wait_dma2 semaphore(%arg11 : memref<!tpu.dma_semaphore, #tpu.memory_space<semaphore_mem>>) src(%dma_wait3A_167 : memref<8192xi32, #tpu.memory_space<hbm>>) dst(%dma_wait3A_166 : memref<8192xi32, #tpu.memory_space<vmem>>)
    %dma_wait3A_168 = arith.constant 8192 : i32
    %dma_wait3A_169 = tpu.memref_slice %arg10[%dma_wait3A_168] : memref<16384xf32, #tpu.memory_space<vmem>> -> memref<8192xf32, #tpu.memory_space<vmem>>
    %dma_wait3A_170 = tpu.memref_slice %arg7[%add3A_111] : memref<2359296xf32, #tpu.memory_space<hbm>> -> memref<8192xf32, #tpu.memory_space<hbm>>
    %dma_wait3A_171 = tpu.memref_slice %arg7[%add3A_111] : memref<2359296xf32, #tpu.memory_space<hbm>> -> memref<8192xf32, #tpu.memory_space<hbm>>
    %dma_wait3A_172 = arith.constant 8192 : i32
    %dma_wait3A_173 = tpu.memref_slice %arg10[%dma_wait3A_172] : memref<16384xf32, #tpu.memory_space<vmem>> -> memref<8192xf32, #tpu.memory_space<vmem>>
    tpu.wait_dma2 semaphore(%arg12 : memref<!tpu.dma_semaphore, #tpu.memory_space<semaphore_mem>>) src(%dma_wait3A_173 : memref<8192xf32, #tpu.memory_space<vmem>>) dst(%dma_wait3A_171 : memref<8192xf32, #tpu.memory_space<hbm>>)
    %scan3A_174 = arith.constant 0 : i32
    %scan3A_175 = arith.constant 0 : i32
    %scan3A_176 = arith.constant 64 : i32
    %scan3A_177 = arith.addi %scan3A_175, %scan3A_176 : i32
    %scan3A_178 = arith.constant 1 : i32
    %scan3A_179 = scf.for %scan3A_374 = %scan3A_175 to %scan3A_177 step %scan3A_178 iter_args(%scan3A_375 = %scan3A_174) -> (i32)  : i32 {
      %mul3A_376 = arith.constant 128 : i32
      %mul3A_377 = arith.muli %scan3A_374, %mul3A_376 : i32
      %add3A_378 = arith.constant 8192 : i32
      %add3A_379 = arith.addi %add3A_378, %mul3A_377 : i32
      %add3A_380 = arith.constant 0 : i32
      %add3A_381 = arith.addi %add3A_379, %add3A_380 : i32
      %get3A = arith.index_cast %add3A_381 : i32 to index
      %get3A_382 = tpu.vector_load %arg9[%get3A] {strides = array<i32>} : memref<16384xi32, #tpu.memory_space<vmem>>, vector<16xi32>,
      %gather3A = tpu.vector_load_idx %arg8[%get3A_382] : memref<65536xf32, #tpu.memory_space<vmem>>[vector<16xi32>], vector<16xf32>,
      %swap3A = arith.index_cast %add3A_381 : i32 to index
      %swap3A_383 = tpu.vector_load %arg10[%swap3A] {strides = array<i32>} : memref<16384xf32, #tpu.memory_space<vmem>>, vector<16xf32>,
      tpu.vector_store %arg10[%swap3A], %gather3A {strides = array<i32>} : memref<16384xf32, #tpu.memory_space<vmem>>, vector<16xf32>,
      %add3A_384 = arith.constant 8192 : i32
      %add3A_385 = arith.addi %add3A_384, %mul3A_377 : i32
      %add3A_386 = arith.constant 16 : i32
      %add3A_387 = arith.addi %add3A_385, %add3A_386 : i32
      %get3A_388 = arith.index_cast %add3A_387 : i32 to index
      %get3A_389 = tpu.vector_load %arg9[%get3A_388] {strides = array<i32>} : memref<16384xi32, #tpu.memory_space<vmem>>, vector<16xi32>,
      %gather3A_390 = tpu.vector_load_idx %arg8[%get3A_389] : memref<65536xf32, #tpu.memory_space<vmem>>[vector<16xi32>], vector<16xf32>,
      %swap3A_391 = arith.index_cast %add3A_387 : i32 to index
      %swap3A_392 = tpu.vector_load %arg10[%swap3A_391] {strides = array<i32>} : memref<16384xf32, #tpu.memory_space<vmem>>, vector<16xf32>,
      tpu.vector_store %arg10[%swap3A_391], %gather3A_390 {strides = array<i32>} : memref<16384xf32, #tpu.memory_space<vmem>>, vector<16xf32>,
      %add3A_393 = arith.constant 8192 : i32
      %add3A_394 = arith.addi %add3A_393, %mul3A_377 : i32
      %add3A_395 = arith.constant 32 : i32
      %add3A_396 = arith.addi %add3A_394, %add3A_395 : i32
      %get3A_397 = arith.index_cast %add3A_396 : i32 to index
      %get3A_398 = tpu.vector_load %arg9[%get3A_397] {strides = array<i32>} : memref<16384xi32, #tpu.memory_space<vmem>>, vector<16xi32>,
      %gather3A_399 = tpu.vector_load_idx %arg8[%get3A_398] : memref<65536xf32, #tpu.memory_space<vmem>>[vector<16xi32>], vector<16xf32>,
      %swap3A_400 = arith.index_cast %add3A_396 : i32 to index
      %swap3A_401 = tpu.vector_load %arg10[%swap3A_400] {strides = array<i32>} : memref<16384xf32, #tpu.memory_space<vmem>>, vector<16xf32>,
      tpu.vector_store %arg10[%swap3A_400], %gather3A_399 {strides = array<i32>} : memref<16384xf32, #tpu.memory_space<vmem>>, vector<16xf32>,
      %add3A_402 = arith.constant 8192 : i32
      %add3A_403 = arith.addi %add3A_402, %mul3A_377 : i32
      %add3A_404 = arith.constant 48 : i32
      %add3A_405 = arith.addi %add3A_403, %add3A_404 : i32
      %get3A_406 = arith.index_cast %add3A_405 : i32 to index
      %get3A_407 = tpu.vector_load %arg9[%get3A_406] {strides = array<i32>} : memref<16384xi32, #tpu.memory_space<vmem>>, vector<16xi32>,
      %gather3A_408 = tpu.vector_load_idx %arg8[%get3A_407] : memref<65536xf32, #tpu.memory_space<vmem>>[vector<16xi32>], vector<16xf32>,
      %swap3A_409 = arith.index_cast %add3A_405 : i32 to index
      %swap3A_410 = tpu.vector_load %arg10[%swap3A_409] {strides = array<i32>} : memref<16384xf32, #tpu.memory_space<vmem>>, vector<16xf32>,
      tpu.vector_store %arg10[%swap3A_409], %gather3A_408 {strides = array<i32>} : memref<16384xf32, #tpu.memory_space<vmem>>, vector<16xf32>,
      %add3A_411 = arith.constant 8192 : i32
      %add3A_412 = arith.addi %add3A_411, %mul3A_377 : i32
      %add3A_413 = arith.constant 64 : i32
      %add3A_414 = arith.addi %add3A_412, %add3A_413 : i32
      %get3A_415 = arith.index_cast %add3A_414 : i32 to index
      %get3A_416 = tpu.vector_load %arg9[%get3A_415] {strides = array<i32>} : memref<16384xi32, #tpu.memory_space<vmem>>, vector<16xi32>,
      %gather3A_417 = tpu.vector_load_idx %arg8[%get3A_416] : memref<65536xf32, #tpu.memory_space<vmem>>[vector<16xi32>], vector<16xf32>,
      %swap3A_418 = arith.index_cast %add3A_414 : i32 to index
      %swap3A_419 = tpu.vector_load %arg10[%swap3A_418] {strides = array<i32>} : memref<16384xf32, #tpu.memory_space<vmem>>, vector<16xf32>,
      tpu.vector_store %arg10[%swap3A_418], %gather3A_417 {strides = array<i32>} : memref<16384xf32, #tpu.memory_space<vmem>>, vector<16xf32>,
      %add3A_420 = arith.constant 8192 : i32
      %add3A_421 = arith.addi %add3A_420, %mul3A_377 : i32
      %add3A_422 = arith.constant 80 : i32
      %add3A_423 = arith.addi %add3A_421, %add3A_422 : i32
      %get3A_424 = arith.index_cast %add3A_423 : i32 to index
      %get3A_425 = tpu.vector_load %arg9[%get3A_424] {strides = array<i32>} : memref<16384xi32, #tpu.memory_space<vmem>>, vector<16xi32>,
      %gather3A_426 = tpu.vector_load_idx %arg8[%get3A_425] : memref<65536xf32, #tpu.memory_space<vmem>>[vector<16xi32>], vector<16xf32>,
      %swap3A_427 = arith.index_cast %add3A_423 : i32 to index
      %swap3A_428 = tpu.vector_load %arg10[%swap3A_427] {strides = array<i32>} : memref<16384xf32, #tpu.memory_space<vmem>>, vector<16xf32>,
      tpu.vector_store %arg10[%swap3A_427], %gather3A_426 {strides = array<i32>} : memref<16384xf32, #tpu.memory_space<vmem>>, vector<16xf32>,
      %add3A_429 = arith.constant 8192 : i32
      %add3A_430 = arith.addi %add3A_429, %mul3A_377 : i32
      %add3A_431 = arith.constant 96 : i32
      %add3A_432 = arith.addi %add3A_430, %add3A_431 : i32
      %get3A_433 = arith.index_cast %add3A_432 : i32 to index
      %get3A_434 = tpu.vector_load %arg9[%get3A_433] {strides = array<i32>} : memref<16384xi32, #tpu.memory_space<vmem>>, vector<16xi32>,
      %gather3A_435 = tpu.vector_load_idx %arg8[%get3A_434] : memref<65536xf32, #tpu.memory_space<vmem>>[vector<16xi32>], vector<16xf32>,
      %swap3A_436 = arith.index_cast %add3A_432 : i32 to index
      %swap3A_437 = tpu.vector_load %arg10[%swap3A_436] {strides = array<i32>} : memref<16384xf32, #tpu.memory_space<vmem>>, vector<16xf32>,
      tpu.vector_store %arg10[%swap3A_436], %gather3A_435 {strides = array<i32>} : memref<16384xf32, #tpu.memory_space<vmem>>, vector<16xf32>,
      %add3A_438 = arith.constant 8192 : i32
      %add3A_439 = arith.addi %add3A_438, %mul3A_377 : i32
      %add3A_440 = arith.constant 112 : i32
      %add3A_441 = arith.addi %add3A_439, %add3A_440 : i32
      %get3A_442 = arith.index_cast %add3A_441 : i32 to index
      %get3A_443 = tpu.vector_load %arg9[%get3A_442] {strides = array<i32>} : memref<16384xi32, #tpu.memory_space<vmem>>, vector<16xi32>,
      %gather3A_444 = tpu.vector_load_idx %arg8[%get3A_443] : memref<65536xf32, #tpu.memory_space<vmem>>[vector<16xi32>], vector<16xf32>,
      %swap3A_445 = arith.index_cast %add3A_441 : i32 to index
      %swap3A_446 = tpu.vector_load %arg10[%swap3A_445] {strides = array<i32>} : memref<16384xf32, #tpu.memory_space<vmem>>, vector<16xf32>,
      tpu.vector_store %arg10[%swap3A_445], %gather3A_444 {strides = array<i32>} : memref<16384xf32, #tpu.memory_space<vmem>>, vector<16xf32>,
      %scan3A_447 = arith.constant 0 : i32
      scf.yield %scan3A_447 : i32
    }
    %scan3A_180 = arith.constant 64 : i32
    %add3A_181 = arith.constant 196608 : i32
    %add3A_182 = arith.addi %mul3A_34, %add3A_181 : i32
    %add3A_183 = arith.addi %add3A_182, %mul3A_32 : i32
    %dma_start3A_184 = arith.constant 8192 : i32
    %dma_start3A_185 = tpu.memref_slice %arg10[%dma_start3A_184] : memref<16384xf32, #tpu.memory_space<vmem>> -> memref<8192xf32, #tpu.memory_space<vmem>>
    %dma_start3A_186 = tpu.memref_slice %arg7[%add3A_183] : memref<2359296xf32, #tpu.memory_space<hbm>> -> memref<8192xf32, #tpu.memory_space<hbm>>
    %dma_start3A_187 = tpu.memref_slice %arg7[%add3A_183] : memref<2359296xf32, #tpu.memory_space<hbm>> -> memref<8192xf32, #tpu.memory_space<hbm>>
    %dma_start3A_188 = arith.constant 8192 : i32
    %dma_start3A_189 = tpu.memref_slice %arg10[%dma_start3A_188] : memref<16384xf32, #tpu.memory_space<vmem>> -> memref<8192xf32, #tpu.memory_space<vmem>>
    tpu.enqueue_dma source(%dma_start3A_189 : memref<8192xf32, #tpu.memory_space<vmem>>) target(%dma_start3A_187 : memref<8192xf32, #tpu.memory_space<hbm>>) target_semaphore(%arg12 : memref<!tpu.dma_semaphore, #tpu.memory_space<semaphore_mem>>)
    %add3A_190 = arith.constant 327680 : i32
    %add3A_191 = arith.addi %add3A_190, %mul3A_32 : i32
    %dma_start3A_192 = arith.constant 8192 : i32
    %dma_start3A_193 = tpu.memref_slice %arg9[%dma_start3A_192] : memref<16384xi32, #tpu.memory_space<vmem>> -> memref<8192xi32, #tpu.memory_space<vmem>>
    %dma_start3A_194 = tpu.memref_slice %arg6[%add3A_191] : memref<589824xi32, #tpu.memory_space<hbm>> -> memref<8192xi32, #tpu.memory_space<hbm>>
    %dma_start3A_195 = arith.constant 8192 : i32
    %dma_start3A_196 = tpu.memref_slice %arg9[%dma_start3A_195] : memref<16384xi32, #tpu.memory_space<vmem>> -> memref<8192xi32, #tpu.memory_space<vmem>>
    %dma_start3A_197 = tpu.memref_slice %arg6[%add3A_191] : memref<589824xi32, #tpu.memory_space<hbm>> -> memref<8192xi32, #tpu.memory_space<hbm>>
    tpu.enqueue_dma source(%dma_start3A_197 : memref<8192xi32, #tpu.memory_space<hbm>>) target(%dma_start3A_196 : memref<8192xi32, #tpu.memory_space<vmem>>) target_semaphore(%arg11 : memref<!tpu.dma_semaphore, #tpu.memory_space<semaphore_mem>>)
    %dma_wait3A_198 = arith.constant 0 : i32
    %dma_wait3A_199 = tpu.memref_slice %arg9[%dma_wait3A_198] : memref<16384xi32, #tpu.memory_space<vmem>> -> memref<8192xi32, #tpu.memory_space<vmem>>
    %dma_wait3A_200 = tpu.memref_slice %arg6[%add3A_155] : memref<589824xi32, #tpu.memory_space<hbm>> -> memref<8192xi32, #tpu.memory_space<hbm>>
    %dma_wait3A_201 = arith.constant 0 : i32
    %dma_wait3A_202 = tpu.memref_slice %arg9[%dma_wait3A_201] : memref<16384xi32, #tpu.memory_space<vmem>> -> memref<8192xi32, #tpu.memory_space<vmem>>
    %dma_wait3A_203 = tpu.memref_slice %arg6[%add3A_155] : memref<589824xi32, #tpu.memory_space<hbm>> -> memref<8192xi32, #tpu.memory_space<hbm>>
    tpu.wait_dma2 semaphore(%arg11 : memref<!tpu.dma_semaphore, #tpu.memory_space<semaphore_mem>>) src(%dma_wait3A_203 : memref<8192xi32, #tpu.memory_space<hbm>>) dst(%dma_wait3A_202 : memref<8192xi32, #tpu.memory_space<vmem>>)
    %dma_wait3A_204 = arith.constant 0 : i32
    %dma_wait3A_205 = tpu.memref_slice %arg10[%dma_wait3A_204] : memref<16384xf32, #tpu.memory_space<vmem>> -> memref<8192xf32, #tpu.memory_space<vmem>>
    %dma_wait3A_206 = tpu.memref_slice %arg7[%add3A_147] : memref<2359296xf32, #tpu.memory_space<hbm>> -> memref<8192xf32, #tpu.memory_space<hbm>>
    %dma_wait3A_207 = tpu.memref_slice %arg7[%add3A_147] : memref<2359296xf32, #tpu.memory_space<hbm>> -> memref<8192xf32, #tpu.memory_space<hbm>>
    %dma_wait3A_208 = arith.constant 0 : i32
    %dma_wait3A_209 = tpu.memref_slice %arg10[%dma_wait3A_208] : memref<16384xf32, #tpu.memory_space<vmem>> -> memref<8192xf32, #tpu.memory_space<vmem>>
    tpu.wait_dma2 semaphore(%arg12 : memref<!tpu.dma_semaphore, #tpu.memory_space<semaphore_mem>>) src(%dma_wait3A_209 : memref<8192xf32, #tpu.memory_space<vmem>>) dst(%dma_wait3A_207 : memref<8192xf32, #tpu.memory_space<hbm>>)
    %scan3A_210 = arith.constant 0 : i32
    %scan3A_211 = arith.constant 0 : i32
    %scan3A_212 = arith.constant 64 : i32
    %scan3A_213 = arith.addi %scan3A_211, %scan3A_212 : i32
    %scan3A_214 = arith.constant 1 : i32
    %scan3A_215 = scf.for %scan3A_374 = %scan3A_211 to %scan3A_213 step %scan3A_214 iter_args(%scan3A_375 = %scan3A_210) -> (i32)  : i32 {
      %mul3A_376 = arith.constant 128 : i32
      %mul3A_377 = arith.muli %scan3A_374, %mul3A_376 : i32
      %add3A_378 = arith.constant 0 : i32
      %add3A_379 = arith.addi %add3A_378, %mul3A_377 : i32
      %add3A_380 = arith.constant 0 : i32
      %add3A_381 = arith.addi %add3A_379, %add3A_380 : i32
      %get3A = arith.index_cast %add3A_381 : i32 to index
      %get3A_382 = tpu.vector_load %arg9[%get3A] {strides = array<i32>} : memref<16384xi32, #tpu.memory_space<vmem>>, vector<16xi32>,
      %gather3A = tpu.vector_load_idx %arg8[%get3A_382] : memref<65536xf32, #tpu.memory_space<vmem>>[vector<16xi32>], vector<16xf32>,
      %swap3A = arith.index_cast %add3A_381 : i32 to index
      %swap3A_383 = tpu.vector_load %arg10[%swap3A] {strides = array<i32>} : memref<16384xf32, #tpu.memory_space<vmem>>, vector<16xf32>,
      tpu.vector_store %arg10[%swap3A], %gather3A {strides = array<i32>} : memref<16384xf32, #tpu.memory_space<vmem>>, vector<16xf32>,
      %add3A_384 = arith.constant 0 : i32
      %add3A_385 = arith.addi %add3A_384, %mul3A_377 : i32
      %add3A_386 = arith.constant 16 : i32
      %add3A_387 = arith.addi %add3A_385, %add3A_386 : i32
      %get3A_388 = arith.index_cast %add3A_387 : i32 to index
      %get3A_389 = tpu.vector_load %arg9[%get3A_388] {strides = array<i32>} : memref<16384xi32, #tpu.memory_space<vmem>>, vector<16xi32>,
      %gather3A_390 = tpu.vector_load_idx %arg8[%get3A_389] : memref<65536xf32, #tpu.memory_space<vmem>>[vector<16xi32>], vector<16xf32>,
      %swap3A_391 = arith.index_cast %add3A_387 : i32 to index
      %swap3A_392 = tpu.vector_load %arg10[%swap3A_391] {strides = array<i32>} : memref<16384xf32, #tpu.memory_space<vmem>>, vector<16xf32>,
      tpu.vector_store %arg10[%swap3A_391], %gather3A_390 {strides = array<i32>} : memref<16384xf32, #tpu.memory_space<vmem>>, vector<16xf32>,
      %add3A_393 = arith.constant 0 : i32
      %add3A_394 = arith.addi %add3A_393, %mul3A_377 : i32
      %add3A_395 = arith.constant 32 : i32
      %add3A_396 = arith.addi %add3A_394, %add3A_395 : i32
      %get3A_397 = arith.index_cast %add3A_396 : i32 to index
      %get3A_398 = tpu.vector_load %arg9[%get3A_397] {strides = array<i32>} : memref<16384xi32, #tpu.memory_space<vmem>>, vector<16xi32>,
      %gather3A_399 = tpu.vector_load_idx %arg8[%get3A_398] : memref<65536xf32, #tpu.memory_space<vmem>>[vector<16xi32>], vector<16xf32>,
      %swap3A_400 = arith.index_cast %add3A_396 : i32 to index
      %swap3A_401 = tpu.vector_load %arg10[%swap3A_400] {strides = array<i32>} : memref<16384xf32, #tpu.memory_space<vmem>>, vector<16xf32>,
      tpu.vector_store %arg10[%swap3A_400], %gather3A_399 {strides = array<i32>} : memref<16384xf32, #tpu.memory_space<vmem>>, vector<16xf32>,
      %add3A_402 = arith.constant 0 : i32
      %add3A_403 = arith.addi %add3A_402, %mul3A_377 : i32
      %add3A_404 = arith.constant 48 : i32
      %add3A_405 = arith.addi %add3A_403, %add3A_404 : i32
      %get3A_406 = arith.index_cast %add3A_405 : i32 to index
      %get3A_407 = tpu.vector_load %arg9[%get3A_406] {strides = array<i32>} : memref<16384xi32, #tpu.memory_space<vmem>>, vector<16xi32>,
      %gather3A_408 = tpu.vector_load_idx %arg8[%get3A_407] : memref<65536xf32, #tpu.memory_space<vmem>>[vector<16xi32>], vector<16xf32>,
      %swap3A_409 = arith.index_cast %add3A_405 : i32 to index
      %swap3A_410 = tpu.vector_load %arg10[%swap3A_409] {strides = array<i32>} : memref<16384xf32, #tpu.memory_space<vmem>>, vector<16xf32>,
      tpu.vector_store %arg10[%swap3A_409], %gather3A_408 {strides = array<i32>} : memref<16384xf32, #tpu.memory_space<vmem>>, vector<16xf32>,
      %add3A_411 = arith.constant 0 : i32
      %add3A_412 = arith.addi %add3A_411, %mul3A_377 : i32
      %add3A_413 = arith.constant 64 : i32
      %add3A_414 = arith.addi %add3A_412, %add3A_413 : i32
      %get3A_415 = arith.index_cast %add3A_414 : i32 to index
      %get3A_416 = tpu.vector_load %arg9[%get3A_415] {strides = array<i32>} : memref<16384xi32, #tpu.memory_space<vmem>>, vector<16xi32>,
      %gather3A_417 = tpu.vector_load_idx %arg8[%get3A_416] : memref<65536xf32, #tpu.memory_space<vmem>>[vector<16xi32>], vector<16xf32>,
      %swap3A_418 = arith.index_cast %add3A_414 : i32 to index
      %swap3A_419 = tpu.vector_load %arg10[%swap3A_418] {strides = array<i32>} : memref<16384xf32, #tpu.memory_space<vmem>>, vector<16xf32>,
      tpu.vector_store %arg10[%swap3A_418], %gather3A_417 {strides = array<i32>} : memref<16384xf32, #tpu.memory_space<vmem>>, vector<16xf32>,
      %add3A_420 = arith.constant 0 : i32
      %add3A_421 = arith.addi %add3A_420, %mul3A_377 : i32
      %add3A_422 = arith.constant 80 : i32
      %add3A_423 = arith.addi %add3A_421, %add3A_422 : i32
      %get3A_424 = arith.index_cast %add3A_423 : i32 to index
      %get3A_425 = tpu.vector_load %arg9[%get3A_424] {strides = array<i32>} : memref<16384xi32, #tpu.memory_space<vmem>>, vector<16xi32>,
      %gather3A_426 = tpu.vector_load_idx %arg8[%get3A_425] : memref<65536xf32, #tpu.memory_space<vmem>>[vector<16xi32>], vector<16xf32>,
      %swap3A_427 = arith.index_cast %add3A_423 : i32 to index
      %swap3A_428 = tpu.vector_load %arg10[%swap3A_427] {strides = array<i32>} : memref<16384xf32, #tpu.memory_space<vmem>>, vector<16xf32>,
      tpu.vector_store %arg10[%swap3A_427], %gather3A_426 {strides = array<i32>} : memref<16384xf32, #tpu.memory_space<vmem>>, vector<16xf32>,
      %add3A_429 = arith.constant 0 : i32
      %add3A_430 = arith.addi %add3A_429, %mul3A_377 : i32
      %add3A_431 = arith.constant 96 : i32
      %add3A_432 = arith.addi %add3A_430, %add3A_431 : i32
      %get3A_433 = arith.index_cast %add3A_432 : i32 to index
      %get3A_434 = tpu.vector_load %arg9[%get3A_433] {strides = array<i32>} : memref<16384xi32, #tpu.memory_space<vmem>>, vector<16xi32>,
      %gather3A_435 = tpu.vector_load_idx %arg8[%get3A_434] : memref<65536xf32, #tpu.memory_space<vmem>>[vector<16xi32>], vector<16xf32>,
      %swap3A_436 = arith.index_cast %add3A_432 : i32 to index
      %swap3A_437 = tpu.vector_load %arg10[%swap3A_436] {strides = array<i32>} : memref<16384xf32, #tpu.memory_space<vmem>>, vector<16xf32>,
      tpu.vector_store %arg10[%swap3A_436], %gather3A_435 {strides = array<i32>} : memref<16384xf32, #tpu.memory_space<vmem>>, vector<16xf32>,
      %add3A_438 = arith.constant 0 : i32
      %add3A_439 = arith.addi %add3A_438, %mul3A_377 : i32
      %add3A_440 = arith.constant 112 : i32
      %add3A_441 = arith.addi %add3A_439, %add3A_440 : i32
      %get3A_442 = arith.index_cast %add3A_441 : i32 to index
      %get3A_443 = tpu.vector_load %arg9[%get3A_442] {strides = array<i32>} : memref<16384xi32, #tpu.memory_space<vmem>>, vector<16xi32>,
      %gather3A_444 = tpu.vector_load_idx %arg8[%get3A_443] : memref<65536xf32, #tpu.memory_space<vmem>>[vector<16xi32>], vector<16xf32>,
      %swap3A_445 = arith.index_cast %add3A_441 : i32 to index
      %swap3A_446 = tpu.vector_load %arg10[%swap3A_445] {strides = array<i32>} : memref<16384xf32, #tpu.memory_space<vmem>>, vector<16xf32>,
      tpu.vector_store %arg10[%swap3A_445], %gather3A_444 {strides = array<i32>} : memref<16384xf32, #tpu.memory_space<vmem>>, vector<16xf32>,
      %scan3A_447 = arith.constant 0 : i32
      scf.yield %scan3A_447 : i32
    }
    %scan3A_216 = arith.constant 64 : i32
    %add3A_217 = arith.constant 262144 : i32
    %add3A_218 = arith.addi %mul3A_34, %add3A_217 : i32
    %add3A_219 = arith.addi %add3A_218, %mul3A_32 : i32
    %dma_start3A_220 = arith.constant 0 : i32
    %dma_start3A_221 = tpu.memref_slice %arg10[%dma_start3A_220] : memref<16384xf32, #tpu.memory_space<vmem>> -> memref<8192xf32, #tpu.memory_space<vmem>>
    %dma_start3A_222 = tpu.memref_slice %arg7[%add3A_219] : memref<2359296xf32, #tpu.memory_space<hbm>> -> memref<8192xf32, #tpu.memory_space<hbm>>
    %dma_start3A_223 = tpu.memref_slice %arg7[%add3A_219] : memref<2359296xf32, #tpu.memory_space<hbm>> -> memref<8192xf32, #tpu.memory_space<hbm>>
    %dma_start3A_224 = arith.constant 0 : i32
    %dma_start3A_225 = tpu.memref_slice %arg10[%dma_start3A_224] : memref<16384xf32, #tpu.memory_space<vmem>> -> memref<8192xf32, #tpu.memory_space<vmem>>
    tpu.enqueue_dma source(%dma_start3A_225 : memref<8192xf32, #tpu.memory_space<vmem>>) target(%dma_start3A_223 : memref<8192xf32, #tpu.memory_space<hbm>>) target_semaphore(%arg12 : memref<!tpu.dma_semaphore, #tpu.memory_space<semaphore_mem>>)
    %add3A_226 = arith.constant 393216 : i32
    %add3A_227 = arith.addi %add3A_226, %mul3A_32 : i32
    %dma_start3A_228 = arith.constant 0 : i32
    %dma_start3A_229 = tpu.memref_slice %arg9[%dma_start3A_228] : memref<16384xi32, #tpu.memory_space<vmem>> -> memref<8192xi32, #tpu.memory_space<vmem>>
    %dma_start3A_230 = tpu.memref_slice %arg6[%add3A_227] : memref<589824xi32, #tpu.memory_space<hbm>> -> memref<8192xi32, #tpu.memory_space<hbm>>
    %dma_start3A_231 = arith.constant 0 : i32
    %dma_start3A_232 = tpu.memref_slice %arg9[%dma_start3A_231] : memref<16384xi32, #tpu.memory_space<vmem>> -> memref<8192xi32, #tpu.memory_space<vmem>>
    %dma_start3A_233 = tpu.memref_slice %arg6[%add3A_227] : memref<589824xi32, #tpu.memory_space<hbm>> -> memref<8192xi32, #tpu.memory_space<hbm>>
    tpu.enqueue_dma source(%dma_start3A_233 : memref<8192xi32, #tpu.memory_space<hbm>>) target(%dma_start3A_232 : memref<8192xi32, #tpu.memory_space<vmem>>) target_semaphore(%arg11 : memref<!tpu.dma_semaphore, #tpu.memory_space<semaphore_mem>>)
    %dma_wait3A_234 = arith.constant 8192 : i32
    %dma_wait3A_235 = tpu.memref_slice %arg9[%dma_wait3A_234] : memref<16384xi32, #tpu.memory_space<vmem>> -> memref<8192xi32, #tpu.memory_space<vmem>>
    %dma_wait3A_236 = tpu.memref_slice %arg6[%add3A_191] : memref<589824xi32, #tpu.memory_space<hbm>> -> memref<8192xi32, #tpu.memory_space<hbm>>
    %dma_wait3A_237 = arith.constant 8192 : i32
    %dma_wait3A_238 = tpu.memref_slice %arg9[%dma_wait3A_237] : memref<16384xi32, #tpu.memory_space<vmem>> -> memref<8192xi32, #tpu.memory_space<vmem>>
    %dma_wait3A_239 = tpu.memref_slice %arg6[%add3A_191] : memref<589824xi32, #tpu.memory_space<hbm>> -> memref<8192xi32, #tpu.memory_space<hbm>>
    tpu.wait_dma2 semaphore(%arg11 : memref<!tpu.dma_semaphore, #tpu.memory_space<semaphore_mem>>) src(%dma_wait3A_239 : memref<8192xi32, #tpu.memory_space<hbm>>) dst(%dma_wait3A_238 : memref<8192xi32, #tpu.memory_space<vmem>>)
    %dma_wait3A_240 = arith.constant 8192 : i32
    %dma_wait3A_241 = tpu.memref_slice %arg10[%dma_wait3A_240] : memref<16384xf32, #tpu.memory_space<vmem>> -> memref<8192xf32, #tpu.memory_space<vmem>>
    %dma_wait3A_242 = tpu.memref_slice %arg7[%add3A_183] : memref<2359296xf32, #tpu.memory_space<hbm>> -> memref<8192xf32, #tpu.memory_space<hbm>>
    %dma_wait3A_243 = tpu.memref_slice %arg7[%add3A_183] : memref<2359296xf32, #tpu.memory_space<hbm>> -> memref<8192xf32, #tpu.memory_space<hbm>>
    %dma_wait3A_244 = arith.constant 8192 : i32
    %dma_wait3A_245 = tpu.memref_slice %arg10[%dma_wait3A_244] : memref<16384xf32, #tpu.memory_space<vmem>> -> memref<8192xf32, #tpu.memory_space<vmem>>
    tpu.wait_dma2 semaphore(%arg12 : memref<!tpu.dma_semaphore, #tpu.memory_space<semaphore_mem>>) src(%dma_wait3A_245 : memref<8192xf32, #tpu.memory_space<vmem>>) dst(%dma_wait3A_243 : memref<8192xf32, #tpu.memory_space<hbm>>)
    %scan3A_246 = arith.constant 0 : i32
    %scan3A_247 = arith.constant 0 : i32
    %scan3A_248 = arith.constant 64 : i32
    %scan3A_249 = arith.addi %scan3A_247, %scan3A_248 : i32
    %scan3A_250 = arith.constant 1 : i32
    %scan3A_251 = scf.for %scan3A_374 = %scan3A_247 to %scan3A_249 step %scan3A_250 iter_args(%scan3A_375 = %scan3A_246) -> (i32)  : i32 {
      %mul3A_376 = arith.constant 128 : i32
      %mul3A_377 = arith.muli %scan3A_374, %mul3A_376 : i32
      %add3A_378 = arith.constant 8192 : i32
      %add3A_379 = arith.addi %add3A_378, %mul3A_377 : i32
      %add3A_380 = arith.constant 0 : i32
      %add3A_381 = arith.addi %add3A_379, %add3A_380 : i32
      %get3A = arith.index_cast %add3A_381 : i32 to index
      %get3A_382 = tpu.vector_load %arg9[%get3A] {strides = array<i32>} : memref<16384xi32, #tpu.memory_space<vmem>>, vector<16xi32>,
      %gather3A = tpu.vector_load_idx %arg8[%get3A_382] : memref<65536xf32, #tpu.memory_space<vmem>>[vector<16xi32>], vector<16xf32>,
      %swap3A = arith.index_cast %add3A_381 : i32 to index
      %swap3A_383 = tpu.vector_load %arg10[%swap3A] {strides = array<i32>} : memref<16384xf32, #tpu.memory_space<vmem>>, vector<16xf32>,
      tpu.vector_store %arg10[%swap3A], %gather3A {strides = array<i32>} : memref<16384xf32, #tpu.memory_space<vmem>>, vector<16xf32>,
      %add3A_384 = arith.constant 8192 : i32
      %add3A_385 = arith.addi %add3A_384, %mul3A_377 : i32
      %add3A_386 = arith.constant 16 : i32
      %add3A_387 = arith.addi %add3A_385, %add3A_386 : i32
      %get3A_388 = arith.index_cast %add3A_387 : i32 to index
      %get3A_389 = tpu.vector_load %arg9[%get3A_388] {strides = array<i32>} : memref<16384xi32, #tpu.memory_space<vmem>>, vector<16xi32>,
      %gather3A_390 = tpu.vector_load_idx %arg8[%get3A_389] : memref<65536xf32, #tpu.memory_space<vmem>>[vector<16xi32>], vector<16xf32>,
      %swap3A_391 = arith.index_cast %add3A_387 : i32 to index
      %swap3A_392 = tpu.vector_load %arg10[%swap3A_391] {strides = array<i32>} : memref<16384xf32, #tpu.memory_space<vmem>>, vector<16xf32>,
      tpu.vector_store %arg10[%swap3A_391], %gather3A_390 {strides = array<i32>} : memref<16384xf32, #tpu.memory_space<vmem>>, vector<16xf32>,
      %add3A_393 = arith.constant 8192 : i32
      %add3A_394 = arith.addi %add3A_393, %mul3A_377 : i32
      %add3A_395 = arith.constant 32 : i32
      %add3A_396 = arith.addi %add3A_394, %add3A_395 : i32
      %get3A_397 = arith.index_cast %add3A_396 : i32 to index
      %get3A_398 = tpu.vector_load %arg9[%get3A_397] {strides = array<i32>} : memref<16384xi32, #tpu.memory_space<vmem>>, vector<16xi32>,
      %gather3A_399 = tpu.vector_load_idx %arg8[%get3A_398] : memref<65536xf32, #tpu.memory_space<vmem>>[vector<16xi32>], vector<16xf32>,
      %swap3A_400 = arith.index_cast %add3A_396 : i32 to index
      %swap3A_401 = tpu.vector_load %arg10[%swap3A_400] {strides = array<i32>} : memref<16384xf32, #tpu.memory_space<vmem>>, vector<16xf32>,
      tpu.vector_store %arg10[%swap3A_400], %gather3A_399 {strides = array<i32>} : memref<16384xf32, #tpu.memory_space<vmem>>, vector<16xf32>,
      %add3A_402 = arith.constant 8192 : i32
      %add3A_403 = arith.addi %add3A_402, %mul3A_377 : i32
      %add3A_404 = arith.constant 48 : i32
      %add3A_405 = arith.addi %add3A_403, %add3A_404 : i32
      %get3A_406 = arith.index_cast %add3A_405 : i32 to index
      %get3A_407 = tpu.vector_load %arg9[%get3A_406] {strides = array<i32>} : memref<16384xi32, #tpu.memory_space<vmem>>, vector<16xi32>,
      %gather3A_408 = tpu.vector_load_idx %arg8[%get3A_407] : memref<65536xf32, #tpu.memory_space<vmem>>[vector<16xi32>], vector<16xf32>,
      %swap3A_409 = arith.index_cast %add3A_405 : i32 to index
      %swap3A_410 = tpu.vector_load %arg10[%swap3A_409] {strides = array<i32>} : memref<16384xf32, #tpu.memory_space<vmem>>, vector<16xf32>,
      tpu.vector_store %arg10[%swap3A_409], %gather3A_408 {strides = array<i32>} : memref<16384xf32, #tpu.memory_space<vmem>>, vector<16xf32>,
      %add3A_411 = arith.constant 8192 : i32
      %add3A_412 = arith.addi %add3A_411, %mul3A_377 : i32
      %add3A_413 = arith.constant 64 : i32
      %add3A_414 = arith.addi %add3A_412, %add3A_413 : i32
      %get3A_415 = arith.index_cast %add3A_414 : i32 to index
      %get3A_416 = tpu.vector_load %arg9[%get3A_415] {strides = array<i32>} : memref<16384xi32, #tpu.memory_space<vmem>>, vector<16xi32>,
      %gather3A_417 = tpu.vector_load_idx %arg8[%get3A_416] : memref<65536xf32, #tpu.memory_space<vmem>>[vector<16xi32>], vector<16xf32>,
      %swap3A_418 = arith.index_cast %add3A_414 : i32 to index
      %swap3A_419 = tpu.vector_load %arg10[%swap3A_418] {strides = array<i32>} : memref<16384xf32, #tpu.memory_space<vmem>>, vector<16xf32>,
      tpu.vector_store %arg10[%swap3A_418], %gather3A_417 {strides = array<i32>} : memref<16384xf32, #tpu.memory_space<vmem>>, vector<16xf32>,
      %add3A_420 = arith.constant 8192 : i32
      %add3A_421 = arith.addi %add3A_420, %mul3A_377 : i32
      %add3A_422 = arith.constant 80 : i32
      %add3A_423 = arith.addi %add3A_421, %add3A_422 : i32
      %get3A_424 = arith.index_cast %add3A_423 : i32 to index
      %get3A_425 = tpu.vector_load %arg9[%get3A_424] {strides = array<i32>} : memref<16384xi32, #tpu.memory_space<vmem>>, vector<16xi32>,
      %gather3A_426 = tpu.vector_load_idx %arg8[%get3A_425] : memref<65536xf32, #tpu.memory_space<vmem>>[vector<16xi32>], vector<16xf32>,
      %swap3A_427 = arith.index_cast %add3A_423 : i32 to index
      %swap3A_428 = tpu.vector_load %arg10[%swap3A_427] {strides = array<i32>} : memref<16384xf32, #tpu.memory_space<vmem>>, vector<16xf32>,
      tpu.vector_store %arg10[%swap3A_427], %gather3A_426 {strides = array<i32>} : memref<16384xf32, #tpu.memory_space<vmem>>, vector<16xf32>,
      %add3A_429 = arith.constant 8192 : i32
      %add3A_430 = arith.addi %add3A_429, %mul3A_377 : i32
      %add3A_431 = arith.constant 96 : i32
      %add3A_432 = arith.addi %add3A_430, %add3A_431 : i32
      %get3A_433 = arith.index_cast %add3A_432 : i32 to index
      %get3A_434 = tpu.vector_load %arg9[%get3A_433] {strides = array<i32>} : memref<16384xi32, #tpu.memory_space<vmem>>, vector<16xi32>,
      %gather3A_435 = tpu.vector_load_idx %arg8[%get3A_434] : memref<65536xf32, #tpu.memory_space<vmem>>[vector<16xi32>], vector<16xf32>,
      %swap3A_436 = arith.index_cast %add3A_432 : i32 to index
      %swap3A_437 = tpu.vector_load %arg10[%swap3A_436] {strides = array<i32>} : memref<16384xf32, #tpu.memory_space<vmem>>, vector<16xf32>,
      tpu.vector_store %arg10[%swap3A_436], %gather3A_435 {strides = array<i32>} : memref<16384xf32, #tpu.memory_space<vmem>>, vector<16xf32>,
      %add3A_438 = arith.constant 8192 : i32
      %add3A_439 = arith.addi %add3A_438, %mul3A_377 : i32
      %add3A_440 = arith.constant 112 : i32
      %add3A_441 = arith.addi %add3A_439, %add3A_440 : i32
      %get3A_442 = arith.index_cast %add3A_441 : i32 to index
      %get3A_443 = tpu.vector_load %arg9[%get3A_442] {strides = array<i32>} : memref<16384xi32, #tpu.memory_space<vmem>>, vector<16xi32>,
      %gather3A_444 = tpu.vector_load_idx %arg8[%get3A_443] : memref<65536xf32, #tpu.memory_space<vmem>>[vector<16xi32>], vector<16xf32>,
      %swap3A_445 = arith.index_cast %add3A_441 : i32 to index
      %swap3A_446 = tpu.vector_load %arg10[%swap3A_445] {strides = array<i32>} : memref<16384xf32, #tpu.memory_space<vmem>>, vector<16xf32>,
      tpu.vector_store %arg10[%swap3A_445], %gather3A_444 {strides = array<i32>} : memref<16384xf32, #tpu.memory_space<vmem>>, vector<16xf32>,
      %scan3A_447 = arith.constant 0 : i32
      scf.yield %scan3A_447 : i32
    }
    %scan3A_252 = arith.constant 64 : i32
    %add3A_253 = arith.constant 327680 : i32
    %add3A_254 = arith.addi %mul3A_34, %add3A_253 : i32
    %add3A_255 = arith.addi %add3A_254, %mul3A_32 : i32
    %dma_start3A_256 = arith.constant 8192 : i32
    %dma_start3A_257 = tpu.memref_slice %arg10[%dma_start3A_256] : memref<16384xf32, #tpu.memory_space<vmem>> -> memref<8192xf32, #tpu.memory_space<vmem>>
    %dma_start3A_258 = tpu.memref_slice %arg7[%add3A_255] : memref<2359296xf32, #tpu.memory_space<hbm>> -> memref<8192xf32, #tpu.memory_space<hbm>>
    %dma_start3A_259 = tpu.memref_slice %arg7[%add3A_255] : memref<2359296xf32, #tpu.memory_space<hbm>> -> memref<8192xf32, #tpu.memory_space<hbm>>
    %dma_start3A_260 = arith.constant 8192 : i32
    %dma_start3A_261 = tpu.memref_slice %arg10[%dma_start3A_260] : memref<16384xf32, #tpu.memory_space<vmem>> -> memref<8192xf32, #tpu.memory_space<vmem>>
    tpu.enqueue_dma source(%dma_start3A_261 : memref<8192xf32, #tpu.memory_space<vmem>>) target(%dma_start3A_259 : memref<8192xf32, #tpu.memory_space<hbm>>) target_semaphore(%arg12 : memref<!tpu.dma_semaphore, #tpu.memory_space<semaphore_mem>>)
    %add3A_262 = arith.constant 458752 : i32
    %add3A_263 = arith.addi %add3A_262, %mul3A_32 : i32
    %dma_start3A_264 = arith.constant 8192 : i32
    %dma_start3A_265 = tpu.memref_slice %arg9[%dma_start3A_264] : memref<16384xi32, #tpu.memory_space<vmem>> -> memref<8192xi32, #tpu.memory_space<vmem>>
    %dma_start3A_266 = tpu.memref_slice %arg6[%add3A_263] : memref<589824xi32, #tpu.memory_space<hbm>> -> memref<8192xi32, #tpu.memory_space<hbm>>
    %dma_start3A_267 = arith.constant 8192 : i32
    %dma_start3A_268 = tpu.memref_slice %arg9[%dma_start3A_267] : memref<16384xi32, #tpu.memory_space<vmem>> -> memref<8192xi32, #tpu.memory_space<vmem>>
    %dma_start3A_269 = tpu.memref_slice %arg6[%add3A_263] : memref<589824xi32, #tpu.memory_space<hbm>> -> memref<8192xi32, #tpu.memory_space<hbm>>
    tpu.enqueue_dma source(%dma_start3A_269 : memref<8192xi32, #tpu.memory_space<hbm>>) target(%dma_start3A_268 : memref<8192xi32, #tpu.memory_space<vmem>>) target_semaphore(%arg11 : memref<!tpu.dma_semaphore, #tpu.memory_space<semaphore_mem>>)
    %dma_wait3A_270 = arith.constant 0 : i32
    %dma_wait3A_271 = tpu.memref_slice %arg9[%dma_wait3A_270] : memref<16384xi32, #tpu.memory_space<vmem>> -> memref<8192xi32, #tpu.memory_space<vmem>>
    %dma_wait3A_272 = tpu.memref_slice %arg6[%add3A_227] : memref<589824xi32, #tpu.memory_space<hbm>> -> memref<8192xi32, #tpu.memory_space<hbm>>
    %dma_wait3A_273 = arith.constant 0 : i32
    %dma_wait3A_274 = tpu.memref_slice %arg9[%dma_wait3A_273] : memref<16384xi32, #tpu.memory_space<vmem>> -> memref<8192xi32, #tpu.memory_space<vmem>>
    %dma_wait3A_275 = tpu.memref_slice %arg6[%add3A_227] : memref<589824xi32, #tpu.memory_space<hbm>> -> memref<8192xi32, #tpu.memory_space<hbm>>
    tpu.wait_dma2 semaphore(%arg11 : memref<!tpu.dma_semaphore, #tpu.memory_space<semaphore_mem>>) src(%dma_wait3A_275 : memref<8192xi32, #tpu.memory_space<hbm>>) dst(%dma_wait3A_274 : memref<8192xi32, #tpu.memory_space<vmem>>)
    %dma_wait3A_276 = arith.constant 0 : i32
    %dma_wait3A_277 = tpu.memref_slice %arg10[%dma_wait3A_276] : memref<16384xf32, #tpu.memory_space<vmem>> -> memref<8192xf32, #tpu.memory_space<vmem>>
    %dma_wait3A_278 = tpu.memref_slice %arg7[%add3A_219] : memref<2359296xf32, #tpu.memory_space<hbm>> -> memref<8192xf32, #tpu.memory_space<hbm>>
    %dma_wait3A_279 = tpu.memref_slice %arg7[%add3A_219] : memref<2359296xf32, #tpu.memory_space<hbm>> -> memref<8192xf32, #tpu.memory_space<hbm>>
    %dma_wait3A_280 = arith.constant 0 : i32
    %dma_wait3A_281 = tpu.memref_slice %arg10[%dma_wait3A_280] : memref<16384xf32, #tpu.memory_space<vmem>> -> memref<8192xf32, #tpu.memory_space<vmem>>
    tpu.wait_dma2 semaphore(%arg12 : memref<!tpu.dma_semaphore, #tpu.memory_space<semaphore_mem>>) src(%dma_wait3A_281 : memref<8192xf32, #tpu.memory_space<vmem>>) dst(%dma_wait3A_279 : memref<8192xf32, #tpu.memory_space<hbm>>)
    %scan3A_282 = arith.constant 0 : i32
    %scan3A_283 = arith.constant 0 : i32
    %scan3A_284 = arith.constant 64 : i32
    %scan3A_285 = arith.addi %scan3A_283, %scan3A_284 : i32
    %scan3A_286 = arith.constant 1 : i32
    %scan3A_287 = scf.for %scan3A_374 = %scan3A_283 to %scan3A_285 step %scan3A_286 iter_args(%scan3A_375 = %scan3A_282) -> (i32)  : i32 {
      %mul3A_376 = arith.constant 128 : i32
      %mul3A_377 = arith.muli %scan3A_374, %mul3A_376 : i32
      %add3A_378 = arith.constant 0 : i32
      %add3A_379 = arith.addi %add3A_378, %mul3A_377 : i32
      %add3A_380 = arith.constant 0 : i32
      %add3A_381 = arith.addi %add3A_379, %add3A_380 : i32
      %get3A = arith.index_cast %add3A_381 : i32 to index
      %get3A_382 = tpu.vector_load %arg9[%get3A] {strides = array<i32>} : memref<16384xi32, #tpu.memory_space<vmem>>, vector<16xi32>,
      %gather3A = tpu.vector_load_idx %arg8[%get3A_382] : memref<65536xf32, #tpu.memory_space<vmem>>[vector<16xi32>], vector<16xf32>,
      %swap3A = arith.index_cast %add3A_381 : i32 to index
      %swap3A_383 = tpu.vector_load %arg10[%swap3A] {strides = array<i32>} : memref<16384xf32, #tpu.memory_space<vmem>>, vector<16xf32>,
      tpu.vector_store %arg10[%swap3A], %gather3A {strides = array<i32>} : memref<16384xf32, #tpu.memory_space<vmem>>, vector<16xf32>,
      %add3A_384 = arith.constant 0 : i32
      %add3A_385 = arith.addi %add3A_384, %mul3A_377 : i32
      %add3A_386 = arith.constant 16 : i32
      %add3A_387 = arith.addi %add3A_385, %add3A_386 : i32
      %get3A_388 = arith.index_cast %add3A_387 : i32 to index
      %get3A_389 = tpu.vector_load %arg9[%get3A_388] {strides = array<i32>} : memref<16384xi32, #tpu.memory_space<vmem>>, vector<16xi32>,
      %gather3A_390 = tpu.vector_load_idx %arg8[%get3A_389] : memref<65536xf32, #tpu.memory_space<vmem>>[vector<16xi32>], vector<16xf32>,
      %swap3A_391 = arith.index_cast %add3A_387 : i32 to index
      %swap3A_392 = tpu.vector_load %arg10[%swap3A_391] {strides = array<i32>} : memref<16384xf32, #tpu.memory_space<vmem>>, vector<16xf32>,
      tpu.vector_store %arg10[%swap3A_391], %gather3A_390 {strides = array<i32>} : memref<16384xf32, #tpu.memory_space<vmem>>, vector<16xf32>,
      %add3A_393 = arith.constant 0 : i32
      %add3A_394 = arith.addi %add3A_393, %mul3A_377 : i32
      %add3A_395 = arith.constant 32 : i32
      %add3A_396 = arith.addi %add3A_394, %add3A_395 : i32
      %get3A_397 = arith.index_cast %add3A_396 : i32 to index
      %get3A_398 = tpu.vector_load %arg9[%get3A_397] {strides = array<i32>} : memref<16384xi32, #tpu.memory_space<vmem>>, vector<16xi32>,
      %gather3A_399 = tpu.vector_load_idx %arg8[%get3A_398] : memref<65536xf32, #tpu.memory_space<vmem>>[vector<16xi32>], vector<16xf32>,
      %swap3A_400 = arith.index_cast %add3A_396 : i32 to index
      %swap3A_401 = tpu.vector_load %arg10[%swap3A_400] {strides = array<i32>} : memref<16384xf32, #tpu.memory_space<vmem>>, vector<16xf32>,
      tpu.vector_store %arg10[%swap3A_400], %gather3A_399 {strides = array<i32>} : memref<16384xf32, #tpu.memory_space<vmem>>, vector<16xf32>,
      %add3A_402 = arith.constant 0 : i32
      %add3A_403 = arith.addi %add3A_402, %mul3A_377 : i32
      %add3A_404 = arith.constant 48 : i32
      %add3A_405 = arith.addi %add3A_403, %add3A_404 : i32
      %get3A_406 = arith.index_cast %add3A_405 : i32 to index
      %get3A_407 = tpu.vector_load %arg9[%get3A_406] {strides = array<i32>} : memref<16384xi32, #tpu.memory_space<vmem>>, vector<16xi32>,
      %gather3A_408 = tpu.vector_load_idx %arg8[%get3A_407] : memref<65536xf32, #tpu.memory_space<vmem>>[vector<16xi32>], vector<16xf32>,
      %swap3A_409 = arith.index_cast %add3A_405 : i32 to index
      %swap3A_410 = tpu.vector_load %arg10[%swap3A_409] {strides = array<i32>} : memref<16384xf32, #tpu.memory_space<vmem>>, vector<16xf32>,
      tpu.vector_store %arg10[%swap3A_409], %gather3A_408 {strides = array<i32>} : memref<16384xf32, #tpu.memory_space<vmem>>, vector<16xf32>,
      %add3A_411 = arith.constant 0 : i32
      %add3A_412 = arith.addi %add3A_411, %mul3A_377 : i32
      %add3A_413 = arith.constant 64 : i32
      %add3A_414 = arith.addi %add3A_412, %add3A_413 : i32
      %get3A_415 = arith.index_cast %add3A_414 : i32 to index
      %get3A_416 = tpu.vector_load %arg9[%get3A_415] {strides = array<i32>} : memref<16384xi32, #tpu.memory_space<vmem>>, vector<16xi32>,
      %gather3A_417 = tpu.vector_load_idx %arg8[%get3A_416] : memref<65536xf32, #tpu.memory_space<vmem>>[vector<16xi32>], vector<16xf32>,
      %swap3A_418 = arith.index_cast %add3A_414 : i32 to index
      %swap3A_419 = tpu.vector_load %arg10[%swap3A_418] {strides = array<i32>} : memref<16384xf32, #tpu.memory_space<vmem>>, vector<16xf32>,
      tpu.vector_store %arg10[%swap3A_418], %gather3A_417 {strides = array<i32>} : memref<16384xf32, #tpu.memory_space<vmem>>, vector<16xf32>,
      %add3A_420 = arith.constant 0 : i32
      %add3A_421 = arith.addi %add3A_420, %mul3A_377 : i32
      %add3A_422 = arith.constant 80 : i32
      %add3A_423 = arith.addi %add3A_421, %add3A_422 : i32
      %get3A_424 = arith.index_cast %add3A_423 : i32 to index
      %get3A_425 = tpu.vector_load %arg9[%get3A_424] {strides = array<i32>} : memref<16384xi32, #tpu.memory_space<vmem>>, vector<16xi32>,
      %gather3A_426 = tpu.vector_load_idx %arg8[%get3A_425] : memref<65536xf32, #tpu.memory_space<vmem>>[vector<16xi32>], vector<16xf32>,
      %swap3A_427 = arith.index_cast %add3A_423 : i32 to index
      %swap3A_428 = tpu.vector_load %arg10[%swap3A_427] {strides = array<i32>} : memref<16384xf32, #tpu.memory_space<vmem>>, vector<16xf32>,
      tpu.vector_store %arg10[%swap3A_427], %gather3A_426 {strides = array<i32>} : memref<16384xf32, #tpu.memory_space<vmem>>, vector<16xf32>,
      %add3A_429 = arith.constant 0 : i32
      %add3A_430 = arith.addi %add3A_429, %mul3A_377 : i32
      %add3A_431 = arith.constant 96 : i32
      %add3A_432 = arith.addi %add3A_430, %add3A_431 : i32
      %get3A_433 = arith.index_cast %add3A_432 : i32 to index
      %get3A_434 = tpu.vector_load %arg9[%get3A_433] {strides = array<i32>} : memref<16384xi32, #tpu.memory_space<vmem>>, vector<16xi32>,
      %gather3A_435 = tpu.vector_load_idx %arg8[%get3A_434] : memref<65536xf32, #tpu.memory_space<vmem>>[vector<16xi32>], vector<16xf32>,
      %swap3A_436 = arith.index_cast %add3A_432 : i32 to index
      %swap3A_437 = tpu.vector_load %arg10[%swap3A_436] {strides = array<i32>} : memref<16384xf32, #tpu.memory_space<vmem>>, vector<16xf32>,
      tpu.vector_store %arg10[%swap3A_436], %gather3A_435 {strides = array<i32>} : memref<16384xf32, #tpu.memory_space<vmem>>, vector<16xf32>,
      %add3A_438 = arith.constant 0 : i32
      %add3A_439 = arith.addi %add3A_438, %mul3A_377 : i32
      %add3A_440 = arith.constant 112 : i32
      %add3A_441 = arith.addi %add3A_439, %add3A_440 : i32
      %get3A_442 = arith.index_cast %add3A_441 : i32 to index
      %get3A_443 = tpu.vector_load %arg9[%get3A_442] {strides = array<i32>} : memref<16384xi32, #tpu.memory_space<vmem>>, vector<16xi32>,
      %gather3A_444 = tpu.vector_load_idx %arg8[%get3A_443] : memref<65536xf32, #tpu.memory_space<vmem>>[vector<16xi32>], vector<16xf32>,
      %swap3A_445 = arith.index_cast %add3A_441 : i32 to index
      %swap3A_446 = tpu.vector_load %arg10[%swap3A_445] {strides = array<i32>} : memref<16384xf32, #tpu.memory_space<vmem>>, vector<16xf32>,
      tpu.vector_store %arg10[%swap3A_445], %gather3A_444 {strides = array<i32>} : memref<16384xf32, #tpu.memory_space<vmem>>, vector<16xf32>,
      %scan3A_447 = arith.constant 0 : i32
      scf.yield %scan3A_447 : i32
    }
    %scan3A_288 = arith.constant 64 : i32
    %add3A_289 = arith.constant 393216 : i32
    %add3A_290 = arith.addi %mul3A_34, %add3A_289 : i32
    %add3A_291 = arith.addi %add3A_290, %mul3A_32 : i32
    %dma_start3A_292 = arith.constant 0 : i32
    %dma_start3A_293 = tpu.memref_slice %arg10[%dma_start3A_292] : memref<16384xf32, #tpu.memory_space<vmem>> -> memref<8192xf32, #tpu.memory_space<vmem>>
    %dma_start3A_294 = tpu.memref_slice %arg7[%add3A_291] : memref<2359296xf32, #tpu.memory_space<hbm>> -> memref<8192xf32, #tpu.memory_space<hbm>>
    %dma_start3A_295 = tpu.memref_slice %arg7[%add3A_291] : memref<2359296xf32, #tpu.memory_space<hbm>> -> memref<8192xf32, #tpu.memory_space<hbm>>
    %dma_start3A_296 = arith.constant 0 : i32
    %dma_start3A_297 = tpu.memref_slice %arg10[%dma_start3A_296] : memref<16384xf32, #tpu.memory_space<vmem>> -> memref<8192xf32, #tpu.memory_space<vmem>>
    tpu.enqueue_dma source(%dma_start3A_297 : memref<8192xf32, #tpu.memory_space<vmem>>) target(%dma_start3A_295 : memref<8192xf32, #tpu.memory_space<hbm>>) target_semaphore(%arg12 : memref<!tpu.dma_semaphore, #tpu.memory_space<semaphore_mem>>)
    %add3A_298 = arith.constant 524288 : i32
    %add3A_299 = arith.addi %add3A_298, %mul3A_32 : i32
    %dma_start3A_300 = arith.constant 0 : i32
    %dma_start3A_301 = tpu.memref_slice %arg9[%dma_start3A_300] : memref<16384xi32, #tpu.memory_space<vmem>> -> memref<8192xi32, #tpu.memory_space<vmem>>
    %dma_start3A_302 = tpu.memref_slice %arg6[%add3A_299] : memref<589824xi32, #tpu.memory_space<hbm>> -> memref<8192xi32, #tpu.memory_space<hbm>>
    %dma_start3A_303 = arith.constant 0 : i32
    %dma_start3A_304 = tpu.memref_slice %arg9[%dma_start3A_303] : memref<16384xi32, #tpu.memory_space<vmem>> -> memref<8192xi32, #tpu.memory_space<vmem>>
    %dma_start3A_305 = tpu.memref_slice %arg6[%add3A_299] : memref<589824xi32, #tpu.memory_space<hbm>> -> memref<8192xi32, #tpu.memory_space<hbm>>
    tpu.enqueue_dma source(%dma_start3A_305 : memref<8192xi32, #tpu.memory_space<hbm>>) target(%dma_start3A_304 : memref<8192xi32, #tpu.memory_space<vmem>>) target_semaphore(%arg11 : memref<!tpu.dma_semaphore, #tpu.memory_space<semaphore_mem>>)
    %dma_wait3A_306 = arith.constant 8192 : i32
    %dma_wait3A_307 = tpu.memref_slice %arg9[%dma_wait3A_306] : memref<16384xi32, #tpu.memory_space<vmem>> -> memref<8192xi32, #tpu.memory_space<vmem>>
    %dma_wait3A_308 = tpu.memref_slice %arg6[%add3A_263] : memref<589824xi32, #tpu.memory_space<hbm>> -> memref<8192xi32, #tpu.memory_space<hbm>>
    %dma_wait3A_309 = arith.constant 8192 : i32
    %dma_wait3A_310 = tpu.memref_slice %arg9[%dma_wait3A_309] : memref<16384xi32, #tpu.memory_space<vmem>> -> memref<8192xi32, #tpu.memory_space<vmem>>
    %dma_wait3A_311 = tpu.memref_slice %arg6[%add3A_263] : memref<589824xi32, #tpu.memory_space<hbm>> -> memref<8192xi32, #tpu.memory_space<hbm>>
    tpu.wait_dma2 semaphore(%arg11 : memref<!tpu.dma_semaphore, #tpu.memory_space<semaphore_mem>>) src(%dma_wait3A_311 : memref<8192xi32, #tpu.memory_space<hbm>>) dst(%dma_wait3A_310 : memref<8192xi32, #tpu.memory_space<vmem>>)
    %dma_wait3A_312 = arith.constant 8192 : i32
    %dma_wait3A_313 = tpu.memref_slice %arg10[%dma_wait3A_312] : memref<16384xf32, #tpu.memory_space<vmem>> -> memref<8192xf32, #tpu.memory_space<vmem>>
    %dma_wait3A_314 = tpu.memref_slice %arg7[%add3A_255] : memref<2359296xf32, #tpu.memory_space<hbm>> -> memref<8192xf32, #tpu.memory_space<hbm>>
    %dma_wait3A_315 = tpu.memref_slice %arg7[%add3A_255] : memref<2359296xf32, #tpu.memory_space<hbm>> -> memref<8192xf32, #tpu.memory_space<hbm>>
    %dma_wait3A_316 = arith.constant 8192 : i32
    %dma_wait3A_317 = tpu.memref_slice %arg10[%dma_wait3A_316] : memref<16384xf32, #tpu.memory_space<vmem>> -> memref<8192xf32, #tpu.memory_space<vmem>>
    tpu.wait_dma2 semaphore(%arg12 : memref<!tpu.dma_semaphore, #tpu.memory_space<semaphore_mem>>) src(%dma_wait3A_317 : memref<8192xf32, #tpu.memory_space<vmem>>) dst(%dma_wait3A_315 : memref<8192xf32, #tpu.memory_space<hbm>>)
    %scan3A_318 = arith.constant 0 : i32
    %scan3A_319 = arith.constant 0 : i32
    %scan3A_320 = arith.constant 64 : i32
    %scan3A_321 = arith.addi %scan3A_319, %scan3A_320 : i32
    %scan3A_322 = arith.constant 1 : i32
    %scan3A_323 = scf.for %scan3A_374 = %scan3A_319 to %scan3A_321 step %scan3A_322 iter_args(%scan3A_375 = %scan3A_318) -> (i32)  : i32 {
      %mul3A_376 = arith.constant 128 : i32
      %mul3A_377 = arith.muli %scan3A_374, %mul3A_376 : i32
      %add3A_378 = arith.constant 8192 : i32
      %add3A_379 = arith.addi %add3A_378, %mul3A_377 : i32
      %add3A_380 = arith.constant 0 : i32
      %add3A_381 = arith.addi %add3A_379, %add3A_380 : i32
      %get3A = arith.index_cast %add3A_381 : i32 to index
      %get3A_382 = tpu.vector_load %arg9[%get3A] {strides = array<i32>} : memref<16384xi32, #tpu.memory_space<vmem>>, vector<16xi32>,
      %gather3A = tpu.vector_load_idx %arg8[%get3A_382] : memref<65536xf32, #tpu.memory_space<vmem>>[vector<16xi32>], vector<16xf32>,
      %swap3A = arith.index_cast %add3A_381 : i32 to index
      %swap3A_383 = tpu.vector_load %arg10[%swap3A] {strides = array<i32>} : memref<16384xf32, #tpu.memory_space<vmem>>, vector<16xf32>,
      tpu.vector_store %arg10[%swap3A], %gather3A {strides = array<i32>} : memref<16384xf32, #tpu.memory_space<vmem>>, vector<16xf32>,
      %add3A_384 = arith.constant 8192 : i32
      %add3A_385 = arith.addi %add3A_384, %mul3A_377 : i32
      %add3A_386 = arith.constant 16 : i32
      %add3A_387 = arith.addi %add3A_385, %add3A_386 : i32
      %get3A_388 = arith.index_cast %add3A_387 : i32 to index
      %get3A_389 = tpu.vector_load %arg9[%get3A_388] {strides = array<i32>} : memref<16384xi32, #tpu.memory_space<vmem>>, vector<16xi32>,
      %gather3A_390 = tpu.vector_load_idx %arg8[%get3A_389] : memref<65536xf32, #tpu.memory_space<vmem>>[vector<16xi32>], vector<16xf32>,
      %swap3A_391 = arith.index_cast %add3A_387 : i32 to index
      %swap3A_392 = tpu.vector_load %arg10[%swap3A_391] {strides = array<i32>} : memref<16384xf32, #tpu.memory_space<vmem>>, vector<16xf32>,
      tpu.vector_store %arg10[%swap3A_391], %gather3A_390 {strides = array<i32>} : memref<16384xf32, #tpu.memory_space<vmem>>, vector<16xf32>,
      %add3A_393 = arith.constant 8192 : i32
      %add3A_394 = arith.addi %add3A_393, %mul3A_377 : i32
      %add3A_395 = arith.constant 32 : i32
      %add3A_396 = arith.addi %add3A_394, %add3A_395 : i32
      %get3A_397 = arith.index_cast %add3A_396 : i32 to index
      %get3A_398 = tpu.vector_load %arg9[%get3A_397] {strides = array<i32>} : memref<16384xi32, #tpu.memory_space<vmem>>, vector<16xi32>,
      %gather3A_399 = tpu.vector_load_idx %arg8[%get3A_398] : memref<65536xf32, #tpu.memory_space<vmem>>[vector<16xi32>], vector<16xf32>,
      %swap3A_400 = arith.index_cast %add3A_396 : i32 to index
      %swap3A_401 = tpu.vector_load %arg10[%swap3A_400] {strides = array<i32>} : memref<16384xf32, #tpu.memory_space<vmem>>, vector<16xf32>,
      tpu.vector_store %arg10[%swap3A_400], %gather3A_399 {strides = array<i32>} : memref<16384xf32, #tpu.memory_space<vmem>>, vector<16xf32>,
      %add3A_402 = arith.constant 8192 : i32
      %add3A_403 = arith.addi %add3A_402, %mul3A_377 : i32
      %add3A_404 = arith.constant 48 : i32
      %add3A_405 = arith.addi %add3A_403, %add3A_404 : i32
      %get3A_406 = arith.index_cast %add3A_405 : i32 to index
      %get3A_407 = tpu.vector_load %arg9[%get3A_406] {strides = array<i32>} : memref<16384xi32, #tpu.memory_space<vmem>>, vector<16xi32>,
      %gather3A_408 = tpu.vector_load_idx %arg8[%get3A_407] : memref<65536xf32, #tpu.memory_space<vmem>>[vector<16xi32>], vector<16xf32>,
      %swap3A_409 = arith.index_cast %add3A_405 : i32 to index
      %swap3A_410 = tpu.vector_load %arg10[%swap3A_409] {strides = array<i32>} : memref<16384xf32, #tpu.memory_space<vmem>>, vector<16xf32>,
      tpu.vector_store %arg10[%swap3A_409], %gather3A_408 {strides = array<i32>} : memref<16384xf32, #tpu.memory_space<vmem>>, vector<16xf32>,
      %add3A_411 = arith.constant 8192 : i32
      %add3A_412 = arith.addi %add3A_411, %mul3A_377 : i32
      %add3A_413 = arith.constant 64 : i32
      %add3A_414 = arith.addi %add3A_412, %add3A_413 : i32
      %get3A_415 = arith.index_cast %add3A_414 : i32 to index
      %get3A_416 = tpu.vector_load %arg9[%get3A_415] {strides = array<i32>} : memref<16384xi32, #tpu.memory_space<vmem>>, vector<16xi32>,
      %gather3A_417 = tpu.vector_load_idx %arg8[%get3A_416] : memref<65536xf32, #tpu.memory_space<vmem>>[vector<16xi32>], vector<16xf32>,
      %swap3A_418 = arith.index_cast %add3A_414 : i32 to index
      %swap3A_419 = tpu.vector_load %arg10[%swap3A_418] {strides = array<i32>} : memref<16384xf32, #tpu.memory_space<vmem>>, vector<16xf32>,
      tpu.vector_store %arg10[%swap3A_418], %gather3A_417 {strides = array<i32>} : memref<16384xf32, #tpu.memory_space<vmem>>, vector<16xf32>,
      %add3A_420 = arith.constant 8192 : i32
      %add3A_421 = arith.addi %add3A_420, %mul3A_377 : i32
      %add3A_422 = arith.constant 80 : i32
      %add3A_423 = arith.addi %add3A_421, %add3A_422 : i32
      %get3A_424 = arith.index_cast %add3A_423 : i32 to index
      %get3A_425 = tpu.vector_load %arg9[%get3A_424] {strides = array<i32>} : memref<16384xi32, #tpu.memory_space<vmem>>, vector<16xi32>,
      %gather3A_426 = tpu.vector_load_idx %arg8[%get3A_425] : memref<65536xf32, #tpu.memory_space<vmem>>[vector<16xi32>], vector<16xf32>,
      %swap3A_427 = arith.index_cast %add3A_423 : i32 to index
      %swap3A_428 = tpu.vector_load %arg10[%swap3A_427] {strides = array<i32>} : memref<16384xf32, #tpu.memory_space<vmem>>, vector<16xf32>,
      tpu.vector_store %arg10[%swap3A_427], %gather3A_426 {strides = array<i32>} : memref<16384xf32, #tpu.memory_space<vmem>>, vector<16xf32>,
      %add3A_429 = arith.constant 8192 : i32
      %add3A_430 = arith.addi %add3A_429, %mul3A_377 : i32
      %add3A_431 = arith.constant 96 : i32
      %add3A_432 = arith.addi %add3A_430, %add3A_431 : i32
      %get3A_433 = arith.index_cast %add3A_432 : i32 to index
      %get3A_434 = tpu.vector_load %arg9[%get3A_433] {strides = array<i32>} : memref<16384xi32, #tpu.memory_space<vmem>>, vector<16xi32>,
      %gather3A_435 = tpu.vector_load_idx %arg8[%get3A_434] : memref<65536xf32, #tpu.memory_space<vmem>>[vector<16xi32>], vector<16xf32>,
      %swap3A_436 = arith.index_cast %add3A_432 : i32 to index
      %swap3A_437 = tpu.vector_load %arg10[%swap3A_436] {strides = array<i32>} : memref<16384xf32, #tpu.memory_space<vmem>>, vector<16xf32>,
      tpu.vector_store %arg10[%swap3A_436], %gather3A_435 {strides = array<i32>} : memref<16384xf32, #tpu.memory_space<vmem>>, vector<16xf32>,
      %add3A_438 = arith.constant 8192 : i32
      %add3A_439 = arith.addi %add3A_438, %mul3A_377 : i32
      %add3A_440 = arith.constant 112 : i32
      %add3A_441 = arith.addi %add3A_439, %add3A_440 : i32
      %get3A_442 = arith.index_cast %add3A_441 : i32 to index
      %get3A_443 = tpu.vector_load %arg9[%get3A_442] {strides = array<i32>} : memref<16384xi32, #tpu.memory_space<vmem>>, vector<16xi32>,
      %gather3A_444 = tpu.vector_load_idx %arg8[%get3A_443] : memref<65536xf32, #tpu.memory_space<vmem>>[vector<16xi32>], vector<16xf32>,
      %swap3A_445 = arith.index_cast %add3A_441 : i32 to index
      %swap3A_446 = tpu.vector_load %arg10[%swap3A_445] {strides = array<i32>} : memref<16384xf32, #tpu.memory_space<vmem>>, vector<16xf32>,
      tpu.vector_store %arg10[%swap3A_445], %gather3A_444 {strides = array<i32>} : memref<16384xf32, #tpu.memory_space<vmem>>, vector<16xf32>,
      %scan3A_447 = arith.constant 0 : i32
      scf.yield %scan3A_447 : i32
    }
    %scan3A_324 = arith.constant 64 : i32
    %add3A_325 = arith.constant 458752 : i32
    %add3A_326 = arith.addi %mul3A_34, %add3A_325 : i32
    %add3A_327 = arith.addi %add3A_326, %mul3A_32 : i32
    %dma_start3A_328 = arith.constant 8192 : i32
    %dma_start3A_329 = tpu.memref_slice %arg10[%dma_start3A_328] : memref<16384xf32, #tpu.memory_space<vmem>> -> memref<8192xf32, #tpu.memory_space<vmem>>
    %dma_start3A_330 = tpu.memref_slice %arg7[%add3A_327] : memref<2359296xf32, #tpu.memory_space<hbm>> -> memref<8192xf32, #tpu.memory_space<hbm>>
    %dma_start3A_331 = tpu.memref_slice %arg7[%add3A_327] : memref<2359296xf32, #tpu.memory_space<hbm>> -> memref<8192xf32, #tpu.memory_space<hbm>>
    %dma_start3A_332 = arith.constant 8192 : i32
    %dma_start3A_333 = tpu.memref_slice %arg10[%dma_start3A_332] : memref<16384xf32, #tpu.memory_space<vmem>> -> memref<8192xf32, #tpu.memory_space<vmem>>
    tpu.enqueue_dma source(%dma_start3A_333 : memref<8192xf32, #tpu.memory_space<vmem>>) target(%dma_start3A_331 : memref<8192xf32, #tpu.memory_space<hbm>>) target_semaphore(%arg12 : memref<!tpu.dma_semaphore, #tpu.memory_space<semaphore_mem>>)
    %dma_wait3A_334 = arith.constant 0 : i32
    %dma_wait3A_335 = tpu.memref_slice %arg9[%dma_wait3A_334] : memref<16384xi32, #tpu.memory_space<vmem>> -> memref<8192xi32, #tpu.memory_space<vmem>>
    %dma_wait3A_336 = tpu.memref_slice %arg6[%add3A_299] : memref<589824xi32, #tpu.memory_space<hbm>> -> memref<8192xi32, #tpu.memory_space<hbm>>
    %dma_wait3A_337 = arith.constant 0 : i32
    %dma_wait3A_338 = tpu.memref_slice %arg9[%dma_wait3A_337] : memref<16384xi32, #tpu.memory_space<vmem>> -> memref<8192xi32, #tpu.memory_space<vmem>>
    %dma_wait3A_339 = tpu.memref_slice %arg6[%add3A_299] : memref<589824xi32, #tpu.memory_space<hbm>> -> memref<8192xi32, #tpu.memory_space<hbm>>
    tpu.wait_dma2 semaphore(%arg11 : memref<!tpu.dma_semaphore, #tpu.memory_space<semaphore_mem>>) src(%dma_wait3A_339 : memref<8192xi32, #tpu.memory_space<hbm>>) dst(%dma_wait3A_338 : memref<8192xi32, #tpu.memory_space<vmem>>)
    %dma_wait3A_340 = arith.constant 0 : i32
    %dma_wait3A_341 = tpu.memref_slice %arg10[%dma_wait3A_340] : memref<16384xf32, #tpu.memory_space<vmem>> -> memref<8192xf32, #tpu.memory_space<vmem>>
    %dma_wait3A_342 = tpu.memref_slice %arg7[%add3A_291] : memref<2359296xf32, #tpu.memory_space<hbm>> -> memref<8192xf32, #tpu.memory_space<hbm>>
    %dma_wait3A_343 = tpu.memref_slice %arg7[%add3A_291] : memref<2359296xf32, #tpu.memory_space<hbm>> -> memref<8192xf32, #tpu.memory_space<hbm>>
    %dma_wait3A_344 = arith.constant 0 : i32
    %dma_wait3A_345 = tpu.memref_slice %arg10[%dma_wait3A_344] : memref<16384xf32, #tpu.memory_space<vmem>> -> memref<8192xf32, #tpu.memory_space<vmem>>
    tpu.wait_dma2 semaphore(%arg12 : memref<!tpu.dma_semaphore, #tpu.memory_space<semaphore_mem>>) src(%dma_wait3A_345 : memref<8192xf32, #tpu.memory_space<vmem>>) dst(%dma_wait3A_343 : memref<8192xf32, #tpu.memory_space<hbm>>)
    %scan3A_346 = arith.constant 0 : i32
    %scan3A_347 = arith.constant 0 : i32
    %scan3A_348 = arith.constant 64 : i32
    %scan3A_349 = arith.addi %scan3A_347, %scan3A_348 : i32
    %scan3A_350 = arith.constant 1 : i32
    %scan3A_351 = scf.for %scan3A_374 = %scan3A_347 to %scan3A_349 step %scan3A_350 iter_args(%scan3A_375 = %scan3A_346) -> (i32)  : i32 {
      %mul3A_376 = arith.constant 128 : i32
      %mul3A_377 = arith.muli %scan3A_374, %mul3A_376 : i32
      %add3A_378 = arith.constant 0 : i32
      %add3A_379 = arith.addi %add3A_378, %mul3A_377 : i32
      %add3A_380 = arith.constant 0 : i32
      %add3A_381 = arith.addi %add3A_379, %add3A_380 : i32
      %get3A = arith.index_cast %add3A_381 : i32 to index
      %get3A_382 = tpu.vector_load %arg9[%get3A] {strides = array<i32>} : memref<16384xi32, #tpu.memory_space<vmem>>, vector<16xi32>,
      %gather3A = tpu.vector_load_idx %arg8[%get3A_382] : memref<65536xf32, #tpu.memory_space<vmem>>[vector<16xi32>], vector<16xf32>,
      %swap3A = arith.index_cast %add3A_381 : i32 to index
      %swap3A_383 = tpu.vector_load %arg10[%swap3A] {strides = array<i32>} : memref<16384xf32, #tpu.memory_space<vmem>>, vector<16xf32>,
      tpu.vector_store %arg10[%swap3A], %gather3A {strides = array<i32>} : memref<16384xf32, #tpu.memory_space<vmem>>, vector<16xf32>,
      %add3A_384 = arith.constant 0 : i32
      %add3A_385 = arith.addi %add3A_384, %mul3A_377 : i32
      %add3A_386 = arith.constant 16 : i32
      %add3A_387 = arith.addi %add3A_385, %add3A_386 : i32
      %get3A_388 = arith.index_cast %add3A_387 : i32 to index
      %get3A_389 = tpu.vector_load %arg9[%get3A_388] {strides = array<i32>} : memref<16384xi32, #tpu.memory_space<vmem>>, vector<16xi32>,
      %gather3A_390 = tpu.vector_load_idx %arg8[%get3A_389] : memref<65536xf32, #tpu.memory_space<vmem>>[vector<16xi32>], vector<16xf32>,
      %swap3A_391 = arith.index_cast %add3A_387 : i32 to index
      %swap3A_392 = tpu.vector_load %arg10[%swap3A_391] {strides = array<i32>} : memref<16384xf32, #tpu.memory_space<vmem>>, vector<16xf32>,
      tpu.vector_store %arg10[%swap3A_391], %gather3A_390 {strides = array<i32>} : memref<16384xf32, #tpu.memory_space<vmem>>, vector<16xf32>,
      %add3A_393 = arith.constant 0 : i32
      %add3A_394 = arith.addi %add3A_393, %mul3A_377 : i32
      %add3A_395 = arith.constant 32 : i32
      %add3A_396 = arith.addi %add3A_394, %add3A_395 : i32
      %get3A_397 = arith.index_cast %add3A_396 : i32 to index
      %get3A_398 = tpu.vector_load %arg9[%get3A_397] {strides = array<i32>} : memref<16384xi32, #tpu.memory_space<vmem>>, vector<16xi32>,
      %gather3A_399 = tpu.vector_load_idx %arg8[%get3A_398] : memref<65536xf32, #tpu.memory_space<vmem>>[vector<16xi32>], vector<16xf32>,
      %swap3A_400 = arith.index_cast %add3A_396 : i32 to index
      %swap3A_401 = tpu.vector_load %arg10[%swap3A_400] {strides = array<i32>} : memref<16384xf32, #tpu.memory_space<vmem>>, vector<16xf32>,
      tpu.vector_store %arg10[%swap3A_400], %gather3A_399 {strides = array<i32>} : memref<16384xf32, #tpu.memory_space<vmem>>, vector<16xf32>,
      %add3A_402 = arith.constant 0 : i32
      %add3A_403 = arith.addi %add3A_402, %mul3A_377 : i32
      %add3A_404 = arith.constant 48 : i32
      %add3A_405 = arith.addi %add3A_403, %add3A_404 : i32
      %get3A_406 = arith.index_cast %add3A_405 : i32 to index
      %get3A_407 = tpu.vector_load %arg9[%get3A_406] {strides = array<i32>} : memref<16384xi32, #tpu.memory_space<vmem>>, vector<16xi32>,
      %gather3A_408 = tpu.vector_load_idx %arg8[%get3A_407] : memref<65536xf32, #tpu.memory_space<vmem>>[vector<16xi32>], vector<16xf32>,
      %swap3A_409 = arith.index_cast %add3A_405 : i32 to index
      %swap3A_410 = tpu.vector_load %arg10[%swap3A_409] {strides = array<i32>} : memref<16384xf32, #tpu.memory_space<vmem>>, vector<16xf32>,
      tpu.vector_store %arg10[%swap3A_409], %gather3A_408 {strides = array<i32>} : memref<16384xf32, #tpu.memory_space<vmem>>, vector<16xf32>,
      %add3A_411 = arith.constant 0 : i32
      %add3A_412 = arith.addi %add3A_411, %mul3A_377 : i32
      %add3A_413 = arith.constant 64 : i32
      %add3A_414 = arith.addi %add3A_412, %add3A_413 : i32
      %get3A_415 = arith.index_cast %add3A_414 : i32 to index
      %get3A_416 = tpu.vector_load %arg9[%get3A_415] {strides = array<i32>} : memref<16384xi32, #tpu.memory_space<vmem>>, vector<16xi32>,
      %gather3A_417 = tpu.vector_load_idx %arg8[%get3A_416] : memref<65536xf32, #tpu.memory_space<vmem>>[vector<16xi32>], vector<16xf32>,
      %swap3A_418 = arith.index_cast %add3A_414 : i32 to index
      %swap3A_419 = tpu.vector_load %arg10[%swap3A_418] {strides = array<i32>} : memref<16384xf32, #tpu.memory_space<vmem>>, vector<16xf32>,
      tpu.vector_store %arg10[%swap3A_418], %gather3A_417 {strides = array<i32>} : memref<16384xf32, #tpu.memory_space<vmem>>, vector<16xf32>,
      %add3A_420 = arith.constant 0 : i32
      %add3A_421 = arith.addi %add3A_420, %mul3A_377 : i32
      %add3A_422 = arith.constant 80 : i32
      %add3A_423 = arith.addi %add3A_421, %add3A_422 : i32
      %get3A_424 = arith.index_cast %add3A_423 : i32 to index
      %get3A_425 = tpu.vector_load %arg9[%get3A_424] {strides = array<i32>} : memref<16384xi32, #tpu.memory_space<vmem>>, vector<16xi32>,
      %gather3A_426 = tpu.vector_load_idx %arg8[%get3A_425] : memref<65536xf32, #tpu.memory_space<vmem>>[vector<16xi32>], vector<16xf32>,
      %swap3A_427 = arith.index_cast %add3A_423 : i32 to index
      %swap3A_428 = tpu.vector_load %arg10[%swap3A_427] {strides = array<i32>} : memref<16384xf32, #tpu.memory_space<vmem>>, vector<16xf32>,
      tpu.vector_store %arg10[%swap3A_427], %gather3A_426 {strides = array<i32>} : memref<16384xf32, #tpu.memory_space<vmem>>, vector<16xf32>,
      %add3A_429 = arith.constant 0 : i32
      %add3A_430 = arith.addi %add3A_429, %mul3A_377 : i32
      %add3A_431 = arith.constant 96 : i32
      %add3A_432 = arith.addi %add3A_430, %add3A_431 : i32
      %get3A_433 = arith.index_cast %add3A_432 : i32 to index
      %get3A_434 = tpu.vector_load %arg9[%get3A_433] {strides = array<i32>} : memref<16384xi32, #tpu.memory_space<vmem>>, vector<16xi32>,
      %gather3A_435 = tpu.vector_load_idx %arg8[%get3A_434] : memref<65536xf32, #tpu.memory_space<vmem>>[vector<16xi32>], vector<16xf32>,
      %swap3A_436 = arith.index_cast %add3A_432 : i32 to index
      %swap3A_437 = tpu.vector_load %arg10[%swap3A_436] {strides = array<i32>} : memref<16384xf32, #tpu.memory_space<vmem>>, vector<16xf32>,
      tpu.vector_store %arg10[%swap3A_436], %gather3A_435 {strides = array<i32>} : memref<16384xf32, #tpu.memory_space<vmem>>, vector<16xf32>,
      %add3A_438 = arith.constant 0 : i32
      %add3A_439 = arith.addi %add3A_438, %mul3A_377 : i32
      %add3A_440 = arith.constant 112 : i32
      %add3A_441 = arith.addi %add3A_439, %add3A_440 : i32
      %get3A_442 = arith.index_cast %add3A_441 : i32 to index
      %get3A_443 = tpu.vector_load %arg9[%get3A_442] {strides = array<i32>} : memref<16384xi32, #tpu.memory_space<vmem>>, vector<16xi32>,
      %gather3A_444 = tpu.vector_load_idx %arg8[%get3A_443] : memref<65536xf32, #tpu.memory_space<vmem>>[vector<16xi32>], vector<16xf32>,
      %swap3A_445 = arith.index_cast %add3A_441 : i32 to index
      %swap3A_446 = tpu.vector_load %arg10[%swap3A_445] {strides = array<i32>} : memref<16384xf32, #tpu.memory_space<vmem>>, vector<16xf32>,
      tpu.vector_store %arg10[%swap3A_445], %gather3A_444 {strides = array<i32>} : memref<16384xf32, #tpu.memory_space<vmem>>, vector<16xf32>,
      %scan3A_447 = arith.constant 0 : i32
      scf.yield %scan3A_447 : i32
    }
    %scan3A_352 = arith.constant 64 : i32
    %add3A_353 = arith.constant 524288 : i32
    %add3A_354 = arith.addi %mul3A_34, %add3A_353 : i32
    %add3A_355 = arith.addi %add3A_354, %mul3A_32 : i32
    %dma_start3A_356 = arith.constant 0 : i32
    %dma_start3A_357 = tpu.memref_slice %arg10[%dma_start3A_356] : memref<16384xf32, #tpu.memory_space<vmem>> -> memref<8192xf32, #tpu.memory_space<vmem>>
    %dma_start3A_358 = tpu.memref_slice %arg7[%add3A_355] : memref<2359296xf32, #tpu.memory_space<hbm>> -> memref<8192xf32, #tpu.memory_space<hbm>>
    %dma_start3A_359 = tpu.memref_slice %arg7[%add3A_355] : memref<2359296xf32, #tpu.memory_space<hbm>> -> memref<8192xf32, #tpu.memory_space<hbm>>
    %dma_start3A_360 = arith.constant 0 : i32
    %dma_start3A_361 = tpu.memref_slice %arg10[%dma_start3A_360] : memref<16384xf32, #tpu.memory_space<vmem>> -> memref<8192xf32, #tpu.memory_space<vmem>>
    tpu.enqueue_dma source(%dma_start3A_361 : memref<8192xf32, #tpu.memory_space<vmem>>) target(%dma_start3A_359 : memref<8192xf32, #tpu.memory_space<hbm>>) target_semaphore(%arg12 : memref<!tpu.dma_semaphore, #tpu.memory_space<semaphore_mem>>)
    %dma_wait3A_362 = arith.constant 8192 : i32
    %dma_wait3A_363 = tpu.memref_slice %arg10[%dma_wait3A_362] : memref<16384xf32, #tpu.memory_space<vmem>> -> memref<8192xf32, #tpu.memory_space<vmem>>
    %dma_wait3A_364 = tpu.memref_slice %arg7[%add3A_327] : memref<2359296xf32, #tpu.memory_space<hbm>> -> memref<8192xf32, #tpu.memory_space<hbm>>
    %dma_wait3A_365 = tpu.memref_slice %arg7[%add3A_327] : memref<2359296xf32, #tpu.memory_space<hbm>> -> memref<8192xf32, #tpu.memory_space<hbm>>
    %dma_wait3A_366 = arith.constant 8192 : i32
    %dma_wait3A_367 = tpu.memref_slice %arg10[%dma_wait3A_366] : memref<16384xf32, #tpu.memory_space<vmem>> -> memref<8192xf32, #tpu.memory_space<vmem>>
    tpu.wait_dma2 semaphore(%arg12 : memref<!tpu.dma_semaphore, #tpu.memory_space<semaphore_mem>>) src(%dma_wait3A_367 : memref<8192xf32, #tpu.memory_space<vmem>>) dst(%dma_wait3A_365 : memref<8192xf32, #tpu.memory_space<hbm>>)
    %dma_wait3A_368 = arith.constant 0 : i32
    %dma_wait3A_369 = tpu.memref_slice %arg10[%dma_wait3A_368] : memref<16384xf32, #tpu.memory_space<vmem>> -> memref<8192xf32, #tpu.memory_space<vmem>>
    %dma_wait3A_370 = tpu.memref_slice %arg7[%add3A_355] : memref<2359296xf32, #tpu.memory_space<hbm>> -> memref<8192xf32, #tpu.memory_space<hbm>>
    %dma_wait3A_371 = tpu.memref_slice %arg7[%add3A_355] : memref<2359296xf32, #tpu.memory_space<hbm>> -> memref<8192xf32, #tpu.memory_space<hbm>>
    %dma_wait3A_372 = arith.constant 0 : i32
    %dma_wait3A_373 = tpu.memref_slice %arg10[%dma_wait3A_372] : memref<16384xf32, #tpu.memory_space<vmem>> -> memref<8192xf32, #tpu.memory_space<vmem>>
    tpu.wait_dma2 semaphore(%arg12 : memref<!tpu.dma_semaphore, #tpu.memory_space<semaphore_mem>>) src(%dma_wait3A_373 : memref<8192xf32, #tpu.memory_space<vmem>>) dst(%dma_wait3A_371 : memref<8192xf32, #tpu.memory_space<hbm>>)
    return
  }
}

</mosaic_0001>

<sc_bundles>
// kernel: sc_nh_gather.3.cloned.1.call-start
scs
__scs_entry_jumppad:
0x0: {  	(pc) =	sbr.rel $0x88, $3  }
0x1: {  	(tag) =	ssettag $0x0;
	lr =	simm.s32 $0x1  }
0x2: {  	[smem:$0x3F9C] =	sst lr;
	_ =	strace $0xD0000000  }
0x3: {  	_ = 	snop  }
0x4: {  	_ = 	snop  }
0x5: {  	_ = 	snop  }
0x6: {  	_ = 	snop  }
0x7: {  	_ = 	snop  }
__scs_overlays_trampoline_lowered:
0x8: {  	[smem:$0x3FAB] =	sst s0  }
0x9: {  	[smem:$0x3FAC] =	sst s1  }
0xa: {  	[smem:$0x3FAD] =	sst s2  }
0xb: {  	[smem:$0x3FAE] =	sst s3  }
0xc: {  	[smem:$0x3FAF] =	sst s4  }
0xd: {  	[smem:$0x3FB0] =	sst s5  }
0xe: {  	[smem:$0x3FB1] =	sst s6  }
0xf: {  	[smem:$0x3FB2] =	sst s7  }
0x10: {  	[smem:$0x3FB3] =	sst s8  }
0x11: {  	[smem:$0x3FB4] =	sst s9;
	s0 =	simm.s32 @!p0 $0x0  }
0x12: {  	s1 =	sld [smem:$0x3F9A];
	s0 =	simm.s32 @p0 $0x1  }
0x13: {  	[smem:$0x3FB5] =	sst s0;
	s0 =	simm.s32 @!p1 $0x0  }
0x14: {  	s2 =	sld [smem:$0x3F99];
	s0 =	simm.s32 @p1 $0x1  }
0x15: {  	[smem:$0x3FB6] =	sst s0;
	s0 =	simm.s32 @!p2 $0x0  }
0x16: {  	s3 =	sld [smem:$0x3FDB];
	s0 =	simm.s32 @p2 $0x1  }
0x17: {  	s4 =	simm.s32 $0x1BF5;
	[smem:$0x3FB8] =	sst s0  }
0x18: {  	s0 =	sld [smem:$0x3F9B];
	_ =	swait.ge [sflag:s4], $0x0  }
0x19: {  	s7 =	sld [smem:$0x3F9C]  }
0x1a: {  	s8 =	sadd.s32 $0xFFFFE003, lr  }
0x1b: {  	s9 =	sadd.s32 $0xFFFFFEF7, lr;
	s5 =	simm.s32 $0xFFFFFFFF;
	p2 =	slt.u32 s8, $0xFFFFF086  }
0x1c: {  	p1 =	slt.u32 s9, $0xF7A;
	s5 =	simm.s32 @!p2 $0x0  }
0x1d: {  	s5 =	simm.s32 @p1 $0x1;
	p0 =	seq.s32 s7, s2  }
0x1e: {  	s7 =	smul.u32 @!p0 $0xF7A, s2;
	p2 =	seq.s32 @!p0 s5, $0x0  }
0x1f: {  	s9 =	smul.u32 $0xF7A, s1;
	s8 =	simm.s32 @!p0 $0x1BF5;
	p2 =	por !p2, p0  }
0x20: {  	[sflag:s8] =	ssyncset.s32 @!p0 $0xFFFFF086;
	s6 =	sadd.s32 @!p0 s3, s7;
	s7 =	simm.s32 @!p0 $0x108  }
0x21: {  	s3 =	sadd.s32 s3, s9;
	s6 =	sadd.s32 @!p0 $0x88, s6;
	s7 =	simm.s32 @p2 $0x1082  }
0x22: {  	[simem:s7], [sflag:s8] =	dma.local @!p0 [hbm:s6], $0xF7A  }
0x23: {  	s9 =	sor.u32 $0xD0000000, s2;
	s6 =	simm.s32 $0x108;
	_ =	swait.ge @!p0 [sflag:s8], $0x0  }
0x24: {  	s3 =	sadd.s32 $0x88, s3;
	s6 =	simm.s32 @!p1 $0x1082;
	[sflag:s4] =	ssyncset.s32 $0xFFFFF086  }
0x25: {  	[simem:s6], [sflag:s4] =	dma.local [hbm:s3], $0xF7A  }
0x26: {  	[smem:$0x3F9C] =	sst s1;
	(tag) =	ssettag s2;
	_ =	strace s9  }
0x27: {  	s1 =	sld [smem:$0x3FAC]  }
0x28: {  	s2 =	sld [smem:$0x3FAD]  }
0x29: {  	s4 =	sld [smem:$0x3FAF]  }
0x2a: {  	p0 =	seq.s32 s5, $0x0;
	s5 =	sld [smem:$0x3FB0]  }
0x2b: {  	s6 =	sld [smem:$0x3FB1]  }
0x2c: {  	s7 =	sld [smem:$0x3FB2]  }
0x2d: {  	s3 =	simm.s32 $0x108;
	s8 =	sld [smem:$0x3FB3]  }
0x2e: {  	s3 =	simm.s32 @!p0 $0x1082;
	s9 =	sld [smem:$0x3FB4]  }
0x2f: {  	lr =	sadd.s32 s0, s3;
	s0 =	sld [smem:$0x3FAB]  }
0x30: {  	s3 =	sld [smem:$0x3FAE]  }
0x31: {  	[smem:$0x3FB7] =	sst s10  }
0x32: {  	s10 =	sld [smem:$0x3FB5];
	_ =	sdelay $0x3  }
0x33: {  	p0 =	seq.s32 s10, $0x1;
	s10 =	sld [smem:$0x3FB7];
	_ =	sdelay $0x3  }
0x34: {  	[smem:$0x3FB7] =	sst s10  }
0x35: {  	s10 =	sld [smem:$0x3FB6];
	_ =	sdelay $0x3  }
0x36: {  	p1 =	seq.s32 s10, $0x1;
	s10 =	sld [smem:$0x3FB7];
	_ =	sdelay $0x3  }
0x37: {  	[smem:$0x3FB7] =	sst s10  }
0x38: {  	s10 =	sld [smem:$0x3FB8]  }
0x39: {  	_ = 	snop;
	(pc) =	sbr.ind lr, $3  }
0x3a: {  	_ = 	snop  }
0x3b: {  	_ = 	snop  }
0x3c: {  	p2 =	seq.s32 s10, $0x1;
	s10 =	sld [smem:$0x3FB7]  }
0x3d: {  	_ =	shalt  }
0x3e: {  	_ =	shalt  }
0x3f: {  	_ =	shalt  }
0x40: {  	_ =	shalt  }
0x41: {  	_ =	shalt  }
0x42: {  	_ =	shalt  }
0x43: {  	_ =	shalt  }
0x44: {  	_ =	shalt  }
0x45: {  	_ =	shalt  }
0x46: {  	_ =	shalt  }
0x47: {  	_ =	shalt  }
0x48: {  	_ =	shalt  }
0x49: {  	_ =	shalt  }
0x4a: {  	_ =	shalt  }
0x4b: {  	_ =	shalt  }
0x4c: {  	_ =	shalt  }
0x4d: {  	_ =	shalt  }
0x4e: {  	_ =	shalt  }
0x4f: {  	_ =	shalt  }
0x50: {  	_ =	shalt  }
0x51: {  	_ =	shalt  }
0x52: {  	_ =	shalt  }
0x53: {  	_ =	shalt  }
0x54: {  	_ =	shalt  }
0x55: {  	_ =	shalt  }
0x56: {  	_ =	shalt  }
0x57: {  	_ =	shalt  }
0x58: {  	_ =	shalt  }
0x59: {  	_ =	shalt  }
0x5a: {  	_ =	shalt  }
0x5b: {  	_ =	shalt  }
0x5c: {  	_ =	shalt  }
0x5d: {  	_ =	shalt  }
0x5e: {  	_ =	shalt  }
0x5f: {  	_ =	shalt  }
0x60: {  	_ =	shalt  }
0x61: {  	_ =	shalt  }
0x62: {  	_ =	shalt  }
0x63: {  	_ =	shalt  }
0x64: {  	_ =	shalt  }
0x65: {  	_ =	shalt  }
0x66: {  	_ =	shalt  }
0x67: {  	_ =	shalt  }
0x68: {  	_ =	shalt  }
0x69: {  	_ =	shalt  }
0x6a: {  	_ =	shalt  }
0x6b: {  	_ =	shalt  }
0x6c: {  	_ =	shalt  }
0x6d: {  	_ =	shalt  }
0x6e: {  	_ =	shalt  }
0x6f: {  	_ =	shalt  }
0x70: {  	_ =	shalt  }
0x71: {  	_ =	shalt  }
0x72: {  	_ =	shalt  }
0x73: {  	_ =	shalt  }
0x74: {  	_ =	shalt  }
0x75: {  	_ =	shalt  }
0x76: {  	_ =	shalt  }
0x77: {  	_ =	shalt  }
0x78: {  	_ =	shalt  }
0x79: {  	_ =	shalt  }
0x7a: {  	_ =	shalt  }
0x7b: {  	_ =	shalt  }
0x7c: {  	_ =	shalt  }
0x7d: {  	_ =	shalt  }
0x7e: {  	_ =	shalt  }
0x7f: {  	_ =	shalt  }
0x80: {  	_ =	shalt  }
0x81: {  	_ =	shalt  }
0x82: {  	_ =	shalt  }
0x83: {  	_ =	shalt  }
0x84: {  	_ =	shalt  }
0x85: {  	_ =	shalt  }
0x86: {  	_ =	shalt  }
0x87: {  	_ =	shalt  }
.Lfunc_end0:
.L_simem_size_0:
called_computation_lowered:
.L_overlay_start_0:
0x88: {  	s2 =	sld [smem:$0x3FD9]  }
0x89: {  	s3 =	sld [smem:$0x3FFE];
	_ =	sdelay $0x1  }
0x8a: {  	s1 =	srdreg.scid  }
0x8b: {  	s0 =	sand.u32 $0x1, s1  }
0x8c: {  	s18 =	sshll.u32 s0, $0xA;
	s2 =	sadd.s32 s3, s2  }
0x8d: {  	s2 =	sadd.s32 s2, s18  }
0x8e: {  	[smem:$0x3FC3] =	sst s2  }
0x8f: {  	_ = 	snop  }
0x90: {  	s2 =	sld [smem:$0x3FC9]  }
0x91: {  	s19 =	sld [smem:$0x3FC8]  }
0x92: {  	s4 =	sld [smem:$0x3FC7]  }
0x93: {  	s5 =	sld [smem:$0x3FC6]  }
0x94: {  	s6 =	sld [smem:$0x3FC5]  }
0x95: {  	s7 =	sld [smem:$0x3FD0];
	(tm) =	ssettm $0x1  }
0x96: {  	s8 =	sld [smem:$0x3FFB];
	_ =	sdelay $0x3  }
0x97: {  	_ =	strace s8  }
0x98: {  	s8 =	sld [smem:$0x3FFC];
	_ =	sdelay $0x3  }
0x99: {  	_ =	strace s8  }
0x9a: {  	s8 =	sld [smem:$0x3FFD];
	_ =	sdelay $0x3  }
0x9b: {  	_ =	strace s8  }
0x9c: {  	_ =	strace $0x8FFFFFFF  }
0x9d: {  	s20 =	sld [smem:$0x3FDB];
	_ =	sdelay $0x1  }
0x9e: {  	s9 =	simm.s32 $_scs_section_size  }
0x9f: {  	s10 =	simm.s32 $_size__tile_overlayer_lowered;
	s11 =	simm.s32 $_tile_overlayer_lowered  }
0xa0: {  	s23 =	simm.s32 $0x1BFF;
	s22 =	sshll.u32 s11, $0x1;
	s8 =	sadd.s32 s9, s20  }
0xa1: {  	s12 =	simm.s32 $0x0;
	s21 =	sshll.u32 s10, $0x1;
	s10 =	sadd.s32 s22, s8  }
0xa2: {  	[timem:s12], [sflag:s23] =	dma.local [hbm:s10], s21  }
0xa3: {  	_ =	swait.ge [sflag:s23], s21  }
0xa4: {  	s9 =	ssub.s32 $0x0, s21;
	[sflag:s23] =	ssyncset.done $0x0  }
0xa5: {  	[sflag:s23] =	ssyncadd.s32 s9;
	_ =	sdelay $0x1  }
0xa6: {  	s24 =	simm.s32 $0x1B8B  }
0xa7: {  	_ =	swait.ge [sflag:s24], $0x1  }
0xa8: {  	[sflag:s24] =	ssyncset.done $0x0  }
0xa9: {  	s25 =	simm.s32 $0x1B8E;
	[sflag:s24] =	ssyncadd.s32 $0xFFFFFFFF  }
0xaa: {  	s26 =	simm.s32 $execute0_lowered;
	[smem:$0x3FD2] =	sst s25  }
0xab: {  	s9 =	sshll.u32 s26, $0x1;
	_ =	strace $0x80000046;
	[dreg:$0x1] =	wrdreg $0xFFFFFFFF  }
0xac: {  	s28 =	simm.s32 $_size_execute0_lowered;
	s8 =	sadd.s32 s8, s9;
	[dreg:$0x0] =	wrdreg $0x0  }
0xad: {  	s9 =	sshll.u32 s28, $0x1;
	[dreg:$0x2] =	wrdreg s8  }
0xae: {  	[dreg:$0x3] =	wrdreg s9  }
0xaf: {  	[dreg:$0x4] =	wrdreg $0xC0  }
0xb0: {  	_ =	task [dreg:s12], $0x5FFFF  }
0xb1: {  	[dreg:$0x1] =	wrdreg $0xFFFFFFFF  }
0xb2: {  	[dreg:$0x0] =	wrdreg $0x60  }
0xb3: {  	[dreg:$0x2] =	wrdreg s2  }
0xb4: {  	[dreg:$0x3] =	wrdreg s19  }
0xb5: {  	[dreg:$0x4] =	wrdreg s4  }
0xb6: {  	[dreg:$0x5] =	wrdreg s5  }
0xb7: {  	[dreg:$0x6] =	wrdreg s6  }
0xb8: {  	[dreg:$0x7] =	wrdreg s7  }
0xb9: {  	[dreg:$0x8] =	wrdreg $0x9  }
0xba: {  	_ =	task.clear_ibuf [dreg:s12], $0x9FFFF;
	_ =	strace $0x90000046  }
0xbb: {  	s29 =	simm.s32 $0x9;
	_ =	strace $0x80000048  }
0xbc: {  	_ =	swait.ge [sflag:s29], $0x1  }
0xbd: {  	[sflag:s29] =	ssyncadd.s32 $0xFFFFFFFF  }
0xbe: {  	_ =	strace $0x90000048  }
0xbf: {  	_ =	sfence  }
0xc0: {  	s30 =	sld [smem:$0x0];
	_ =	sdelay $0x2  }
0xc1: {  	s31 =	sshll.u32 s1, $0xD;
	s1 =	sshrl.u32 s1, $0x2  }
0xc2: {  	s3 =	sand.u32 $0x4000, s31;
	s1 =	sadd.s32 s1, s30  }
0xc3: {  	s0 =	sor.u32 s3, s0;
	s1 =	sshll.u32 s1, $0x11  }
0xc4: {  	s0 =	sor.u32 s1, s0  }
0xc5: {  	s0 =	sadd.s32 $0x8F2B, s0  }
0xc6: {  	[sflag:s0] =	ssyncadd.remote.s32 $0x1  }
0xc7: {  	_ =	sfence.sel $0xFFFF  }
0xc8: {  	[dreg:$0x0] =	wrdreg $0xFFFFFFFF;
	(pc) =	sbr.abs _section_cstart, $3  }
0xc9: {  	[dreg:$0x1] =	wrdreg $0xFFFFFFFF  }
0xca: {  	_ =	task.clear_ibuf [dreg:s12], $0x2FFFF;
	_ =	strace $0x9FFFFFFF  }
0xcb: {  	(tm) =	ssettm $0x7FFFFFFF  }
tec
execute0_lowered:
.L_overlay_start_1:
0x0: {  	(tag) =	ssettag $0x1  }
0x1: {  	s1 =	rddreg [dreg:$0x0]  }
0x2: {  	s2 =	rddreg [dreg:$0x1]  }
0x3: {  	s0 =	rddreg [dreg:$0x2]  }
0x4: {  	s5 =	rddreg [dreg:$0x3]  }
0x5: {  	s4 =	rddreg [dreg:$0x4]  }
0x6: {  	s21 =	rddreg [dreg:$0x5];
	s3 =	simm.s32 $0x0  }
0x7: {  	s8 =	stileid.u32;
	s6 =	srdreg.scid;
	s28 =	simm.s32 $0x14000  }
0x8: {  	s29 =	simm.s32 $0x16000;
	s30 =	simm.s32 $0x2;
	s31 =	simm.s32 $0x0  }
0x9: {  	[smem:$0x7FF] =	sst s3;
	s7 =	sshll.u32 s8, $0x1;
	s6 =	sand.u32 $0x1, s6  }
0xa: {  	s19 =	sshrl.u32 s8, $0x2;
	_ =	strace $0x80000047;
	s7 =	sand.u32 $0x6, s7  }
0xb: {  	s15 =	ssub.s32 $0x2, s6;
	s16 =	smul.u32 $0x90000, s19;
	p0 =	sgt.s32 s19, $0x1  }
0xc: {  	s6 =	sor.u32 s6, s7;
	s9 =	sshrl.u32 s15, $0x1;
	p1 =	seq.s32 @p0 s19, $0x2  }
0xd: {  	s10 =	sshll.u32 s6, $0xD;
	s6 =	sshll.u32 s6, $0xA;
	s22 =	ssub.s32 s15, s9  }
0xe: {  	p1 =	por !p1, !p0;
	s4 =	sadd.s32 s4, s6;
	s20 =	sor.u32 s16, s10  }
0xf: {  	s0 =	smov.u32 @p1 s5;
	p1 =	seq.s32 @!p0 s19, $0x0;
	s22 =	smax.u32 s22, $0x1  }
0x10: {  	s6 =	sadd.s32 $0x2000, s4;
	s17 =	sshrl.u32 s20, $0x3;
	s7 =	sadd.s32 $0x10000, s20  }
0x11: {  	s23 =	sadd.s32 $0x20000, s20;
	s9 =	sadd.s32 $0x6000, s4;
	s12 =	sadd.s32 $0x30000, s20  }
0x12: {  	s11 =	sadd.s32 $0x8000, s4;
	s14 =	sadd.s32 $0x40000, s20;
	s13 =	sadd.s32 $0xA000, s4  }
0x13: {  	s15 =	sadd.s32 $0xC000, s4;
	s16 =	sadd.s32 $0x50000, s20;
	s25 =	sadd.s32 $0x70000, s20  }
0x14: {  	s19 =	sadd.s32 $0x10000, s4;
	p1 =	por !p1, p0;
	[dreg:$0x7] =	wrdreg s6  }
0x15: {  	s6 =	sadd.s32 s21, s17;
	s18 =	sshrl.u32 s7, $0x3;
	s7 =	sadd.s32 $0x4000, s4  }
0x16: {  	s24 =	sshrl.u32 s23, $0x3;
	s12 =	sshrl.u32 s12, $0x3;
	s14 =	sshrl.u32 s14, $0x3  }
0x17: {  	s16 =	sshrl.u32 s16, $0x3;
	s17 =	sadd.s32 $0x60000, s20;
	s5 =	sshrl.u32 s25, $0x3  }
0x18: {  	s23 =	sadd.s32 $0x80000, s20;
	s1 =	smov.u32 @p1 s2;
	s25 =	simm.s32 $0x12000  }
0x19: {  	s8 =	sadd.s32 s21, s18;
	s10 =	sadd.s32 s21, s24;
	s12 =	sadd.s32 s21, s12  }
0x1a: {  	s14 =	sadd.s32 s21, s14;
	s16 =	sadd.s32 s21, s16;
	s18 =	sshrl.u32 s17, $0x3  }
0x1b: {  	s17 =	sadd.s32 $0xE000, s4;
	s20 =	sadd.s32 s21, s5;
	s26 =	sshrl.u32 s23, $0x3  }
0x1c: {  	s23 =	simm.s32 $0x10000;
	s1 =	smov.u32 @p0 s0;
	s24 =	simm.s32 $0x3  }
0x1d: {  	s18 =	sadd.s32 s21, s18;
	s21 =	sadd.s32 s21, s26;
	s26 =	simm.s32 $0x1  }
.LBB2_1:
0x1e: {  	[tilespmem:s23], [sflag:$0x1] =	stream.linear.gather [hbm4b:s4+s3], $0x2000, $0x38;
	[tilespmem:$0x18000] =	vst v63  }
0x1f: {  	s0 =	simm.s32 $0x0  }
0x20: {  	[tilespmem:s0], [sflag:$0x3] =	stream.linear.gather [hbm4b:s1+s0], $0x10000, $0x38;
	[tilespmem:$0x18000] =	vst v63  }
0x21: {  	_ =	swait.ge [sflag:s24], $0x10000  }
0x22: {  	[sflag:s24] =	ssyncset.done $0x0  }
0x23: {  	s2 =	rddreg [dreg:$0x7];
	[sflag:s24] =	ssyncadd.s32 $0xFFFF0000  }
0x24: {  	[tilespmem:s25], [sflag:$0x1] =	stream.linear.gather [hbm4b:s2+s0], $0x2000, $0x38;
	[tilespmem:$0x18000] =	vst v63  }
0x25: {  	_ =	swait.ge [sflag:s26], $0x2000  }
0x26: {  	[sflag:s26] =	ssyncset.done $0x0  }
0x27: {  	s0 =	simm.s32 $0x0;
	[sflag:s26] =	ssyncadd.s32 $0xFFFFE000  }
0x28: {  	v0 =	vld [tilespmem:s0+$0x10000];
	_ =	sdelay $0x5  }
0x29: {  	v1 =	vld [tilespmem:s0+$0x10010];
	_ =	sdelay $0x1  }
0x2a: {  	v0 =	vld.idx.msk [tilespmem:v0+s3+$0x0], $0xffff;
	_ =	sdelay $0x4  }
0x2b: {  	[tilespmem:s0+$0x14000] =	vst v0;
	v0 =	vld [tilespmem:s0+$0x10020]  }
0x2c: {  	v1 =	vld.idx.msk [tilespmem:v1+s3+$0x0], $0xffff;
	_ =	sdelay $0x4  }
0x2d: {  	[tilespmem:s0+$0x14010] =	vst v1;
	v1 =	vld [tilespmem:s0+$0x10030];
	_ =	sdelay $0x1  }
0x2e: {  	v0 =	vld.idx.msk [tilespmem:v0+s3+$0x0], $0xffff;
	_ =	sdelay $0x4  }
0x2f: {  	[tilespmem:s0+$0x14020] =	vst v0;
	v0 =	vld [tilespmem:s0+$0x10040]  }
0x30: {  	v1 =	vld.idx.msk [tilespmem:v1+s3+$0x0], $0xffff;
	_ =	sdelay $0x4  }
0x31: {  	[tilespmem:s0+$0x14030] =	vst v1;
	v1 =	vld [tilespmem:s0+$0x10050];
	_ =	sdelay $0x1  }
0x32: {  	v0 =	vld.idx.msk [tilespmem:v0+s3+$0x0], $0xffff;
	_ =	sdelay $0x4  }
0x33: {  	v2 =	vld [tilespmem:s0+$0x10060];
	[tilespmem:s0+$0x14040] =	vst v0  }
0x34: {  	v0 =	vld.idx.msk [tilespmem:v1+s3+$0x0], $0xffff;
	_ =	sdelay $0x4  }
0x35: {  	[tilespmem:s0+$0x14050] =	vst v0;
	v0 =	vld [tilespmem:s0+$0x10070];
	_ =	sdelay $0x1  }
0x36: {  	v1 =	vld.idx.msk [tilespmem:v2+s3+$0x0], $0xffff;
	_ =	sdelay $0x3  }
0x37: {  	s5 =	simm.s32 $0x80;
	s2 =	simm.s32 $0x400  }
.LBB2_2:
0x38: {  	p0 =	sne.s32 s2, $0x7E00;
	v2 =	vld [tilespmem:s5+$0x10000];
	[tilespmem:s0+$0x14060] =	vst v1  }
0x39: {  	v0 =	vld.idx.msk [tilespmem:v0+s3+$0x0], $0xffff;
	_ =	sdelay $0x5  }
0x3a: {  	v1 =	vld [tilespmem:s5+$0x10010];
	[tilespmem:s0+$0x14070] =	vst v0;
	s0 =	smov.u32 s5  }
0x3b: {  	v0 =	vld.idx.msk [tilespmem:v2+s3+$0x0], $0xffff;
	_ =	sdelay $0x5  }
0x3c: {  	[tilespmem:s0+$0x14000] =	vst v0;
	v0 =	vld [tilespmem:s0+$0x10020]  }
0x3d: {  	v1 =	vld.idx.msk [tilespmem:v1+s3+$0x0], $0xffff;
	_ =	sdelay $0x5  }
0x3e: {  	[tilespmem:s0+$0x14010] =	vst v1;
	v1 =	vld [tilespmem:s0+$0x10030]  }
0x3f: {  	v0 =	vld.idx.msk [tilespmem:v0+s3+$0x0], $0xffff;
	_ =	sdelay $0x5  }
0x40: {  	[tilespmem:s0+$0x14020] =	vst v0;
	v0 =	vld [tilespmem:s0+$0x10040]  }
0x41: {  	v1 =	vld.idx.msk [tilespmem:v1+s3+$0x0], $0xffff;
	_ =	sdelay $0x5  }
0x42: {  	[tilespmem:s0+$0x14030] =	vst v1;
	v1 =	vld [tilespmem:s0+$0x10050]  }
0x43: {  	v0 =	vld.idx.msk [tilespmem:v0+s3+$0x0], $0xffff;
	_ =	sdelay $0x5  }
0x44: {  	[tilespmem:s0+$0x14040] =	vst v0;
	v2 =	vld [tilespmem:s0+$0x10060]  }
0x45: {  	v0 =	vld.idx.msk [tilespmem:v1+s3+$0x0], $0xffff;
	_ =	sdelay $0x5  }
0x46: {  	[tilespmem:s0+$0x14050] =	vst v0;
	v0 =	vld [tilespmem:s0+$0x10070]  }
0x47: {  	v1 =	vld.idx.msk [tilespmem:v2+s3+$0x0], $0xffff  }
.Ltmp0:
0x48: {  	(pc) =	sbr.rel @p0 .LBB2_2-.Ltmp0, $2  }
0x49: {  	_ =	sdelay $0x2  }
0x4a: {  	s5 =	sshra.s32 s2, $0x2;
	s2 =	sadd.s32 $0x200, s2  }
0x4b: {  	_ =	sdelay $0x1  }
0x4c: {  	v2 =	vld [tilespmem:s5+$0x10000]  }
0x4d: {  	[tilespmem:s0+$0x14060] =	vst v1  }
0x4e: {  	v0 =	vld.idx.msk [tilespmem:v0+s3+$0x0], $0xffff;
	_ =	sdelay $0x3  }
0x4f: {  	v1 =	vld [tilespmem:s5+$0x10010]  }
0x50: {  	[tilespmem:s0+$0x14070] =	vst v0  }
0x51: {  	v0 =	vld.idx.msk [tilespmem:v2+s3+$0x0], $0xffff;
	_ =	sdelay $0x4  }
0x52: {  	[tilespmem:s5+$0x14000] =	vst v0;
	v0 =	vld [tilespmem:s5+$0x10020]  }
0x53: {  	v1 =	vld.idx.msk [tilespmem:v1+s3+$0x0], $0xffff;
	_ =	sdelay $0x4  }
0x54: {  	[tilespmem:s5+$0x14010] =	vst v1;
	v1 =	vld [tilespmem:s5+$0x10030];
	_ =	sdelay $0x1  }
0x55: {  	v0 =	vld.idx.msk [tilespmem:v0+s3+$0x0], $0xffff;
	_ =	sdelay $0x4  }
0x56: {  	[tilespmem:s5+$0x14020] =	vst v0;
	v0 =	vld [tilespmem:s5+$0x10040]  }
0x57: {  	v1 =	vld.idx.msk [tilespmem:v1+s3+$0x0], $0xffff;
	_ =	sdelay $0x4  }
0x58: {  	[tilespmem:s5+$0x14030] =	vst v1;
	v1 =	vld [tilespmem:s5+$0x10050];
	_ =	sdelay $0x1  }
0x59: {  	v0 =	vld.idx.msk [tilespmem:v0+s3+$0x0], $0xffff;
	_ =	sdelay $0x4  }
0x5a: {  	[tilespmem:s5+$0x14040] =	vst v0;
	v0 =	vld [tilespmem:s5+$0x10060]  }
0x5b: {  	v1 =	vld.idx.msk [tilespmem:v1+s3+$0x0], $0xffff;
	_ =	sdelay $0x4  }
0x5c: {  	[tilespmem:s5+$0x14050] =	vst v1;
	v1 =	vld [tilespmem:s5+$0x10070];
	_ =	sdelay $0x1  }
0x5d: {  	v0 =	vld.idx.msk [tilespmem:v0+s3+$0x0], $0xffff;
	_ =	sdelay $0x4  }
0x5e: {  	[tilespmem:s5+$0x14060] =	vst v0  }
0x5f: {  	v0 =	vld.idx.msk [tilespmem:v1+s3+$0x0], $0xffff;
	_ =	sdelay $0x4  }
0x60: {  	[tilespmem:s5+$0x14070] =	vst v0;
	s5 =	simm.s32 $0x0  }
0x61: {  	[hbm4b:s6+s5] =	stream.linear.scatter [tilespmem:s28], [sflag:$0x2], $0x2000, $0x38;
	[tilespmem:$0x18000] =	vst v63  }
0x62: {  	_ = 	snop  }
0x63: {  	[tilespmem:s23], [sflag:$0x1] =	stream.linear.gather [hbm4b:s7+s5], $0x2000, $0x38;
	[tilespmem:$0x18000] =	vst v63  }
0x64: {  	_ =	swait.ge [sflag:s26], $0x2000  }
0x65: {  	[sflag:s26] =	ssyncset.done $0x0  }
0x66: {  	s0 =	simm.s32 $0x0;
	[sflag:s26] =	ssyncadd.s32 $0xFFFFE000  }
0x67: {  	v0 =	vld [tilespmem:s0+$0x12000];
	_ =	sdelay $0x5  }
0x68: {  	v1 =	vld [tilespmem:s0+$0x12010];
	_ =	sdelay $0x1  }
0x69: {  	v0 =	vld.idx.msk [tilespmem:v0+s3+$0x0], $0xffff;
	_ =	sdelay $0x4  }
0x6a: {  	[tilespmem:s0+$0x16000] =	vst v0;
	v0 =	vld [tilespmem:s0+$0x12020]  }
0x6b: {  	v1 =	vld.idx.msk [tilespmem:v1+s3+$0x0], $0xffff;
	_ =	sdelay $0x4  }
0x6c: {  	[tilespmem:s0+$0x16010] =	vst v1;
	v1 =	vld [tilespmem:s0+$0x12030];
	_ =	sdelay $0x1  }
0x6d: {  	v0 =	vld.idx.msk [tilespmem:v0+s3+$0x0], $0xffff;
	_ =	sdelay $0x4  }
0x6e: {  	[tilespmem:s0+$0x16020] =	vst v0;
	v0 =	vld [tilespmem:s0+$0x12040]  }
0x6f: {  	v1 =	vld.idx.msk [tilespmem:v1+s3+$0x0], $0xffff;
	_ =	sdelay $0x4  }
0x70: {  	[tilespmem:s0+$0x16030] =	vst v1;
	v1 =	vld [tilespmem:s0+$0x12050];
	_ =	sdelay $0x1  }
0x71: {  	v0 =	vld.idx.msk [tilespmem:v0+s3+$0x0], $0xffff;
	_ =	sdelay $0x4  }
0x72: {  	v2 =	vld [tilespmem:s0+$0x12060];
	[tilespmem:s0+$0x16040] =	vst v0  }
0x73: {  	v0 =	vld.idx.msk [tilespmem:v1+s3+$0x0], $0xffff;
	_ =	sdelay $0x4  }
0x74: {  	[tilespmem:s0+$0x16050] =	vst v0;
	v0 =	vld [tilespmem:s0+$0x12070];
	_ =	sdelay $0x1  }
0x75: {  	v1 =	vld.idx.msk [tilespmem:v2+s3+$0x0], $0xffff;
	_ =	sdelay $0x3  }
0x76: {  	s2 =	simm.s32 $0x400;
	s5 =	simm.s32 $0x80  }
.LBB2_4:
0x77: {  	p0 =	sne.s32 s2, $0x7E00;
	v2 =	vld [tilespmem:s5+$0x12000];
	[tilespmem:s0+$0x16060] =	vst v1  }
0x78: {  	v0 =	vld.idx.msk [tilespmem:v0+s3+$0x0], $0xffff;
	_ =	sdelay $0x5  }
0x79: {  	v1 =	vld [tilespmem:s5+$0x12010];
	[tilespmem:s0+$0x16070] =	vst v0;
	s0 =	smov.u32 s5  }
0x7a: {  	v0 =	vld.idx.msk [tilespmem:v2+s3+$0x0], $0xffff;
	_ =	sdelay $0x5  }
0x7b: {  	[tilespmem:s0+$0x16000] =	vst v0;
	v0 =	vld [tilespmem:s0+$0x12020]  }
0x7c: {  	v1 =	vld.idx.msk [tilespmem:v1+s3+$0x0], $0xffff;
	_ =	sdelay $0x5  }
0x7d: {  	[tilespmem:s0+$0x16010] =	vst v1;
	v1 =	vld [tilespmem:s0+$0x12030]  }
0x7e: {  	v0 =	vld.idx.msk [tilespmem:v0+s3+$0x0], $0xffff;
	_ =	sdelay $0x5  }
0x7f: {  	[tilespmem:s0+$0x16020] =	vst v0;
	v0 =	vld [tilespmem:s0+$0x12040]  }
0x80: {  	v1 =	vld.idx.msk [tilespmem:v1+s3+$0x0], $0xffff;
	_ =	sdelay $0x5  }
0x81: {  	[tilespmem:s0+$0x16030] =	vst v1;
	v1 =	vld [tilespmem:s0+$0x12050]  }
0x82: {  	v0 =	vld.idx.msk [tilespmem:v0+s3+$0x0], $0xffff;
	_ =	sdelay $0x5  }
0x83: {  	[tilespmem:s0+$0x16040] =	vst v0;
	v2 =	vld [tilespmem:s0+$0x12060]  }
0x84: {  	v0 =	vld.idx.msk [tilespmem:v1+s3+$0x0], $0xffff;
	_ =	sdelay $0x5  }
0x85: {  	[tilespmem:s0+$0x16050] =	vst v0;
	v0 =	vld [tilespmem:s0+$0x12070]  }
0x86: {  	v1 =	vld.idx.msk [tilespmem:v2+s3+$0x0], $0xffff  }
.Ltmp1:
0x87: {  	(pc) =	sbr.rel @p0 .LBB2_4-.Ltmp1, $2  }
0x88: {  	_ =	sdelay $0x2  }
0x89: {  	s5 =	sshra.s32 s2, $0x2;
	s2 =	sadd.s32 $0x200, s2  }
0x8a: {  	_ =	sdelay $0x1  }
0x8b: {  	v2 =	vld [tilespmem:s5+$0x12000]  }
0x8c: {  	[tilespmem:s0+$0x16060] =	vst v1  }
0x8d: {  	v0 =	vld.idx.msk [tilespmem:v0+s3+$0x0], $0xffff;
	_ =	sdelay $0x3  }
0x8e: {  	v1 =	vld [tilespmem:s5+$0x12010]  }
0x8f: {  	[tilespmem:s0+$0x16070] =	vst v0  }
0x90: {  	v0 =	vld.idx.msk [tilespmem:v2+s3+$0x0], $0xffff;
	_ =	sdelay $0x4  }
0x91: {  	[tilespmem:s5+$0x16000] =	vst v0;
	v0 =	vld [tilespmem:s5+$0x12020]  }
0x92: {  	v1 =	vld.idx.msk [tilespmem:v1+s3+$0x0], $0xffff;
	_ =	sdelay $0x4  }
0x93: {  	[tilespmem:s5+$0x16010] =	vst v1;
	v1 =	vld [tilespmem:s5+$0x12030];
	_ =	sdelay $0x1  }
0x94: {  	v0 =	vld.idx.msk [tilespmem:v0+s3+$0x0], $0xffff;
	_ =	sdelay $0x4  }
0x95: {  	[tilespmem:s5+$0x16020] =	vst v0;
	v0 =	vld [tilespmem:s5+$0x12040]  }
0x96: {  	v1 =	vld.idx.msk [tilespmem:v1+s3+$0x0], $0xffff;
	_ =	sdelay $0x4  }
0x97: {  	[tilespmem:s5+$0x16030] =	vst v1;
	v1 =	vld [tilespmem:s5+$0x12050];
	_ =	sdelay $0x1  }
0x98: {  	v0 =	vld.idx.msk [tilespmem:v0+s3+$0x0], $0xffff;
	_ =	sdelay $0x4  }
0x99: {  	[tilespmem:s5+$0x16040] =	vst v0;
	v0 =	vld [tilespmem:s5+$0x12060]  }
0x9a: {  	v1 =	vld.idx.msk [tilespmem:v1+s3+$0x0], $0xffff;
	_ =	sdelay $0x4  }
0x9b: {  	[tilespmem:s5+$0x16050] =	vst v1;
	v1 =	vld [tilespmem:s5+$0x12070];
	_ =	sdelay $0x1  }
0x9c: {  	v0 =	vld.idx.msk [tilespmem:v0+s3+$0x0], $0xffff;
	_ =	sdelay $0x4  }
0x9d: {  	[tilespmem:s5+$0x16060] =	vst v0  }
0x9e: {  	v0 =	vld.idx.msk [tilespmem:v1+s3+$0x0], $0xffff;
	_ =	sdelay $0x4  }
0x9f: {  	[tilespmem:s5+$0x16070] =	vst v0;
	s5 =	simm.s32 $0x0  }
0xa0: {  	[hbm4b:s8+s5] =	stream.linear.scatter [tilespmem:s29], [sflag:$0x2], $0x2000, $0x38;
	[tilespmem:$0x18000] =	vst v63  }
0xa1: {  	_ = 	snop  }
0xa2: {  	[tilespmem:s25], [sflag:$0x1] =	stream.linear.gather [hbm4b:s9+s5], $0x2000, $0x38;
	[tilespmem:$0x18000] =	vst v63  }
0xa3: {  	_ =	swait.ge [sflag:s26], $0x2000  }
0xa4: {  	[sflag:s26] =	ssyncset.done $0x0  }
0xa5: {  	[sflag:s26] =	ssyncadd.s32 $0xFFFFE000  }
0xa6: {  	_ =	swait.ge [sflag:s30], $0x2000  }
0xa7: {  	[sflag:s30] =	ssyncset.done $0x0  }
0xa8: {  	s0 =	simm.s32 $0x0;
	[sflag:s30] =	ssyncadd.s32 $0xFFFFE000  }
0xa9: {  	v0 =	vld [tilespmem:s0+$0x10000];
	_ =	sdelay $0x5  }
0xaa: {  	v1 =	vld [tilespmem:s0+$0x10010];
	_ =	sdelay $0x1  }
0xab: {  	v0 =	vld.idx.msk [tilespmem:v0+s3+$0x0], $0xffff;
	_ =	sdelay $0x4  }
0xac: {  	[tilespmem:s0+$0x14000] =	vst v0;
	v0 =	vld [tilespmem:s0+$0x10020]  }
0xad: {  	v1 =	vld.idx.msk [tilespmem:v1+s3+$0x0], $0xffff;
	_ =	sdelay $0x4  }
0xae: {  	[tilespmem:s0+$0x14010] =	vst v1;
	v1 =	vld [tilespmem:s0+$0x10030];
	_ =	sdelay $0x1  }
0xaf: {  	v0 =	vld.idx.msk [tilespmem:v0+s3+$0x0], $0xffff;
	_ =	sdelay $0x4  }
0xb0: {  	[tilespmem:s0+$0x14020] =	vst v0;
	v0 =	vld [tilespmem:s0+$0x10040]  }
0xb1: {  	v1 =	vld.idx.msk [tilespmem:v1+s3+$0x0], $0xffff;
	_ =	sdelay $0x4  }
0xb2: {  	[tilespmem:s0+$0x14030] =	vst v1;
	v1 =	vld [tilespmem:s0+$0x10050];
	_ =	sdelay $0x1  }
0xb3: {  	v0 =	vld.idx.msk [tilespmem:v0+s3+$0x0], $0xffff;
	_ =	sdelay $0x4  }
0xb4: {  	v2 =	vld [tilespmem:s0+$0x10060];
	[tilespmem:s0+$0x14040] =	vst v0  }
0xb5: {  	v0 =	vld.idx.msk [tilespmem:v1+s3+$0x0], $0xffff;
	_ =	sdelay $0x4  }
0xb6: {  	[tilespmem:s0+$0x14050] =	vst v0;
	v0 =	vld [tilespmem:s0+$0x10070];
	_ =	sdelay $0x1  }
0xb7: {  	v1 =	vld.idx.msk [tilespmem:v2+s3+$0x0], $0xffff;
	_ =	sdelay $0x3  }
0xb8: {  	s2 =	simm.s32 $0x400;
	s5 =	simm.s32 $0x80  }
.LBB2_6:
0xb9: {  	p0 =	sne.s32 s2, $0x7E00;
	v2 =	vld [tilespmem:s5+$0x10000];
	[tilespmem:s0+$0x14060] =	vst v1  }
0xba: {  	v0 =	vld.idx.msk [tilespmem:v0+s3+$0x0], $0xffff;
	_ =	sdelay $0x5  }
0xbb: {  	v1 =	vld [tilespmem:s5+$0x10010];
	[tilespmem:s0+$0x14070] =	vst v0;
	s0 =	smov.u32 s5  }
0xbc: {  	v0 =	vld.idx.msk [tilespmem:v2+s3+$0x0], $0xffff;
	_ =	sdelay $0x5  }
0xbd: {  	[tilespmem:s0+$0x14000] =	vst v0;
	v0 =	vld [tilespmem:s0+$0x10020]  }
0xbe: {  	v1 =	vld.idx.msk [tilespmem:v1+s3+$0x0], $0xffff;
	_ =	sdelay $0x5  }
0xbf: {  	[tilespmem:s0+$0x14010] =	vst v1;
	v1 =	vld [tilespmem:s0+$0x10030]  }
0xc0: {  	v0 =	vld.idx.msk [tilespmem:v0+s3+$0x0], $0xffff;
	_ =	sdelay $0x5  }
0xc1: {  	[tilespmem:s0+$0x14020] =	vst v0;
	v0 =	vld [tilespmem:s0+$0x10040]  }
0xc2: {  	v1 =	vld.idx.msk [tilespmem:v1+s3+$0x0], $0xffff;
	_ =	sdelay $0x5  }
0xc3: {  	[tilespmem:s0+$0x14030] =	vst v1;
	v1 =	vld [tilespmem:s0+$0x10050]  }
0xc4: {  	v0 =	vld.idx.msk [tilespmem:v0+s3+$0x0], $0xffff;
	_ =	sdelay $0x5  }
0xc5: {  	[tilespmem:s0+$0x14040] =	vst v0;
	v2 =	vld [tilespmem:s0+$0x10060]  }
0xc6: {  	v0 =	vld.idx.msk [tilespmem:v1+s3+$0x0], $0xffff;
	_ =	sdelay $0x5  }
0xc7: {  	[tilespmem:s0+$0x14050] =	vst v0;
	v0 =	vld [tilespmem:s0+$0x10070]  }
0xc8: {  	v1 =	vld.idx.msk [tilespmem:v2+s3+$0x0], $0xffff  }
.Ltmp2:
0xc9: {  	(pc) =	sbr.rel @p0 .LBB2_6-.Ltmp2, $2  }
0xca: {  	_ =	sdelay $0x2  }
0xcb: {  	s5 =	sshra.s32 s2, $0x2;
	s2 =	sadd.s32 $0x200, s2  }
0xcc: {  	_ =	sdelay $0x1  }
0xcd: {  	v2 =	vld [tilespmem:s5+$0x10000]  }
0xce: {  	[tilespmem:s0+$0x14060] =	vst v1  }
0xcf: {  	v0 =	vld.idx.msk [tilespmem:v0+s3+$0x0], $0xffff;
	_ =	sdelay $0x3  }
0xd0: {  	v1 =	vld [tilespmem:s5+$0x10010]  }
0xd1: {  	[tilespmem:s0+$0x14070] =	vst v0  }
0xd2: {  	v0 =	vld.idx.msk [tilespmem:v2+s3+$0x0], $0xffff;
	_ =	sdelay $0x4  }
0xd3: {  	[tilespmem:s5+$0x14000] =	vst v0;
	v0 =	vld [tilespmem:s5+$0x10020]  }
0xd4: {  	v1 =	vld.idx.msk [tilespmem:v1+s3+$0x0], $0xffff;
	_ =	sdelay $0x4  }
0xd5: {  	[tilespmem:s5+$0x14010] =	vst v1;
	v1 =	vld [tilespmem:s5+$0x10030];
	_ =	sdelay $0x1  }
0xd6: {  	v0 =	vld.idx.msk [tilespmem:v0+s3+$0x0], $0xffff;
	_ =	sdelay $0x4  }
0xd7: {  	[tilespmem:s5+$0x14020] =	vst v0;
	v0 =	vld [tilespmem:s5+$0x10040]  }
0xd8: {  	v1 =	vld.idx.msk [tilespmem:v1+s3+$0x0], $0xffff;
	_ =	sdelay $0x4  }
0xd9: {  	[tilespmem:s5+$0x14030] =	vst v1;
	v1 =	vld [tilespmem:s5+$0x10050];
	_ =	sdelay $0x1  }
0xda: {  	v0 =	vld.idx.msk [tilespmem:v0+s3+$0x0], $0xffff;
	_ =	sdelay $0x4  }
0xdb: {  	[tilespmem:s5+$0x14040] =	vst v0;
	v0 =	vld [tilespmem:s5+$0x10060]  }
0xdc: {  	v1 =	vld.idx.msk [tilespmem:v1+s3+$0x0], $0xffff;
	_ =	sdelay $0x4  }
0xdd: {  	[tilespmem:s5+$0x14050] =	vst v1;
	v1 =	vld [tilespmem:s5+$0x10070];
	_ =	sdelay $0x1  }
0xde: {  	v0 =	vld.idx.msk [tilespmem:v0+s3+$0x0], $0xffff;
	_ =	sdelay $0x4  }
0xdf: {  	[tilespmem:s5+$0x14060] =	vst v0  }
0xe0: {  	v0 =	vld.idx.msk [tilespmem:v1+s3+$0x0], $0xffff;
	_ =	sdelay $0x4  }
0xe1: {  	[tilespmem:s5+$0x14070] =	vst v0;
	s5 =	simm.s32 $0x0  }
0xe2: {  	[hbm4b:s10+s5] =	stream.linear.scatter [tilespmem:s28], [sflag:$0x2], $0x2000, $0x38;
	[tilespmem:$0x18000] =	vst v63  }
0xe3: {  	_ = 	snop  }
0xe4: {  	[tilespmem:s23], [sflag:$0x1] =	stream.linear.gather [hbm4b:s11+s5], $0x2000, $0x38;
	[tilespmem:$0x18000] =	vst v63  }
0xe5: {  	_ =	swait.ge [sflag:s26], $0x2000  }
0xe6: {  	[sflag:s26] =	ssyncset.done $0x0  }
0xe7: {  	[sflag:s26] =	ssyncadd.s32 $0xFFFFE000  }
0xe8: {  	_ =	swait.ge [sflag:s30], $0x2000  }
0xe9: {  	[sflag:s30] =	ssyncset.done $0x0  }
0xea: {  	s0 =	simm.s32 $0x0;
	[sflag:s30] =	ssyncadd.s32 $0xFFFFE000  }
0xeb: {  	v0 =	vld [tilespmem:s0+$0x12000];
	_ =	sdelay $0x5  }
0xec: {  	v1 =	vld [tilespmem:s0+$0x12010];
	_ =	sdelay $0x1  }
0xed: {  	v0 =	vld.idx.msk [tilespmem:v0+s3+$0x0], $0xffff;
	_ =	sdelay $0x4  }
0xee: {  	[tilespmem:s0+$0x16000] =	vst v0;
	v0 =	vld [tilespmem:s0+$0x12020]  }
0xef: {  	v1 =	vld.idx.msk [tilespmem:v1+s3+$0x0], $0xffff;
	_ =	sdelay $0x4  }
0xf0: {  	[tilespmem:s0+$0x16010] =	vst v1;
	v1 =	vld [tilespmem:s0+$0x12030];
	_ =	sdelay $0x1  }
0xf1: {  	v0 =	vld.idx.msk [tilespmem:v0+s3+$0x0], $0xffff;
	_ =	sdelay $0x4  }
0xf2: {  	[tilespmem:s0+$0x16020] =	vst v0;
	v0 =	vld [tilespmem:s0+$0x12040]  }
0xf3: {  	v1 =	vld.idx.msk [tilespmem:v1+s3+$0x0], $0xffff;
	_ =	sdelay $0x4  }
0xf4: {  	[tilespmem:s0+$0x16030] =	vst v1;
	v1 =	vld [tilespmem:s0+$0x12050];
	_ =	sdelay $0x1  }
0xf5: {  	v0 =	vld.idx.msk [tilespmem:v0+s3+$0x0], $0xffff;
	_ =	sdelay $0x4  }
0xf6: {  	v2 =	vld [tilespmem:s0+$0x12060];
	[tilespmem:s0+$0x16040] =	vst v0  }
0xf7: {  	v0 =	vld.idx.msk [tilespmem:v1+s3+$0x0], $0xffff;
	_ =	sdelay $0x4  }
0xf8: {  	[tilespmem:s0+$0x16050] =	vst v0;
	v0 =	vld [tilespmem:s0+$0x12070];
	_ =	sdelay $0x1  }
0xf9: {  	v1 =	vld.idx.msk [tilespmem:v2+s3+$0x0], $0xffff;
	_ =	sdelay $0x3  }
0xfa: {  	s2 =	simm.s32 $0x400;
	s5 =	simm.s32 $0x80  }
.LBB2_8:
0xfb: {  	p0 =	sne.s32 s2, $0x7E00;
	v2 =	vld [tilespmem:s5+$0x12000];
	[tilespmem:s0+$0x16060] =	vst v1  }
0xfc: {  	v0 =	vld.idx.msk [tilespmem:v0+s3+$0x0], $0xffff;
	_ =	sdelay $0x5  }
0xfd: {  	v1 =	vld [tilespmem:s5+$0x12010];
	[tilespmem:s0+$0x16070] =	vst v0;
	s0 =	smov.u32 s5  }
0xfe: {  	v0 =	vld.idx.msk [tilespmem:v2+s3+$0x0], $0xffff;
	_ =	sdelay $0x5  }
0xff: {  	[tilespmem:s0+$0x16000] =	vst v0;
	v0 =	vld [tilespmem:s0+$0x12020]  }
0x100: {  	v1 =	vld.idx.msk [tilespmem:v1+s3+$0x0], $0xffff;
	_ =	sdelay $0x5  }
0x101: {  	[tilespmem:s0+$0x16010] =	vst v1;
	v1 =	vld [tilespmem:s0+$0x12030]  }
0x102: {  	v0 =	vld.idx.msk [tilespmem:v0+s3+$0x0], $0xffff;
	_ =	sdelay $0x5  }
0x103: {  	[tilespmem:s0+$0x16020] =	vst v0;
	v0 =	vld [tilespmem:s0+$0x12040]  }
0x104: {  	v1 =	vld.idx.msk [tilespmem:v1+s3+$0x0], $0xffff;
	_ =	sdelay $0x5  }
0x105: {  	[tilespmem:s0+$0x16030] =	vst v1;
	v1 =	vld [tilespmem:s0+$0x12050]  }
0x106: {  	v0 =	vld.idx.msk [tilespmem:v0+s3+$0x0], $0xffff;
	_ =	sdelay $0x5  }
0x107: {  	[tilespmem:s0+$0x16040] =	vst v0;
	v2 =	vld [tilespmem:s0+$0x12060]  }
0x108: {  	v0 =	vld.idx.msk [tilespmem:v1+s3+$0x0], $0xffff;
	_ =	sdelay $0x5  }
0x109: {  	[tilespmem:s0+$0x16050] =	vst v0;
	v0 =	vld [tilespmem:s0+$0x12070]  }
0x10a: {  	v1 =	vld.idx.msk [tilespmem:v2+s3+$0x0], $0xffff  }
.Ltmp3:
0x10b: {  	(pc) =	sbr.rel @p0 .LBB2_8-.Ltmp3, $2  }
0x10c: {  	_ =	sdelay $0x2  }
0x10d: {  	s5 =	sshra.s32 s2, $0x2;
	s2 =	sadd.s32 $0x200, s2  }
0x10e: {  	_ =	sdelay $0x1  }
0x10f: {  	v2 =	vld [tilespmem:s5+$0x12000]  }
0x110: {  	[tilespmem:s0+$0x16060] =	vst v1  }
0x111: {  	v0 =	vld.idx.msk [tilespmem:v0+s3+$0x0], $0xffff;
	_ =	sdelay $0x3  }
0x112: {  	v1 =	vld [tilespmem:s5+$0x12010]  }
0x113: {  	[tilespmem:s0+$0x16070] =	vst v0  }
0x114: {  	v0 =	vld.idx.msk [tilespmem:v2+s3+$0x0], $0xffff;
	_ =	sdelay $0x4  }
0x115: {  	[tilespmem:s5+$0x16000] =	vst v0;
	v0 =	vld [tilespmem:s5+$0x12020]  }
0x116: {  	v1 =	vld.idx.msk [tilespmem:v1+s3+$0x0], $0xffff;
	_ =	sdelay $0x4  }
0x117: {  	[tilespmem:s5+$0x16010] =	vst v1;
	v1 =	vld [tilespmem:s5+$0x12030];
	_ =	sdelay $0x1  }
0x118: {  	v0 =	vld.idx.msk [tilespmem:v0+s3+$0x0], $0xffff;
	_ =	sdelay $0x4  }
0x119: {  	[tilespmem:s5+$0x16020] =	vst v0;
	v0 =	vld [tilespmem:s5+$0x12040]  }
0x11a: {  	v1 =	vld.idx.msk [tilespmem:v1+s3+$0x0], $0xffff;
	_ =	sdelay $0x4  }
0x11b: {  	[tilespmem:s5+$0x16030] =	vst v1;
	v1 =	vld [tilespmem:s5+$0x12050];
	_ =	sdelay $0x1  }
0x11c: {  	v0 =	vld.idx.msk [tilespmem:v0+s3+$0x0], $0xffff;
	_ =	sdelay $0x4  }
0x11d: {  	[tilespmem:s5+$0x16040] =	vst v0;
	v0 =	vld [tilespmem:s5+$0x12060]  }
0x11e: {  	v1 =	vld.idx.msk [tilespmem:v1+s3+$0x0], $0xffff;
	_ =	sdelay $0x4  }
0x11f: {  	[tilespmem:s5+$0x16050] =	vst v1;
	v1 =	vld [tilespmem:s5+$0x12070];
	_ =	sdelay $0x1  }
0x120: {  	v0 =	vld.idx.msk [tilespmem:v0+s3+$0x0], $0xffff;
	_ =	sdelay $0x4  }
0x121: {  	[tilespmem:s5+$0x16060] =	vst v0  }
0x122: {  	v0 =	vld.idx.msk [tilespmem:v1+s3+$0x0], $0xffff;
	_ =	sdelay $0x4  }
0x123: {  	[tilespmem:s5+$0x16070] =	vst v0;
	s5 =	simm.s32 $0x0  }
0x124: {  	[hbm4b:s12+s5] =	stream.linear.scatter [tilespmem:s29], [sflag:$0x2], $0x2000, $0x38;
	[tilespmem:$0x18000] =	vst v63  }
0x125: {  	_ = 	snop  }
0x126: {  	[tilespmem:s25], [sflag:$0x1] =	stream.linear.gather [hbm4b:s13+s5], $0x2000, $0x38;
	[tilespmem:$0x18000] =	vst v63  }
0x127: {  	_ =	swait.ge [sflag:s26], $0x2000  }
0x128: {  	[sflag:s26] =	ssyncset.done $0x0  }
0x129: {  	[sflag:s26] =	ssyncadd.s32 $0xFFFFE000  }
0x12a: {  	_ =	swait.ge [sflag:s30], $0x2000  }
0x12b: {  	[sflag:s30] =	ssyncset.done $0x0  }
0x12c: {  	s0 =	simm.s32 $0x0;
	[sflag:s30] =	ssyncadd.s32 $0xFFFFE000  }
0x12d: {  	v0 =	vld [tilespmem:s0+$0x10000];
	_ =	sdelay $0x5  }
0x12e: {  	v1 =	vld [tilespmem:s0+$0x10010];
	_ =	sdelay $0x1  }
0x12f: {  	v0 =	vld.idx.msk [tilespmem:v0+s3+$0x0], $0xffff;
	_ =	sdelay $0x4  }
0x130: {  	[tilespmem:s0+$0x14000] =	vst v0;
	v0 =	vld [tilespmem:s0+$0x10020]  }
0x131: {  	v1 =	vld.idx.msk [tilespmem:v1+s3+$0x0], $0xffff;
	_ =	sdelay $0x4  }
0x132: {  	[tilespmem:s0+$0x14010] =	vst v1;
	v1 =	vld [tilespmem:s0+$0x10030];
	_ =	sdelay $0x1  }
0x133: {  	v0 =	vld.idx.msk [tilespmem:v0+s3+$0x0], $0xffff;
	_ =	sdelay $0x4  }
0x134: {  	[tilespmem:s0+$0x14020] =	vst v0;
	v0 =	vld [tilespmem:s0+$0x10040]  }
0x135: {  	v1 =	vld.idx.msk [tilespmem:v1+s3+$0x0], $0xffff;
	_ =	sdelay $0x4  }
0x136: {  	[tilespmem:s0+$0x14030] =	vst v1;
	v1 =	vld [tilespmem:s0+$0x10050];
	_ =	sdelay $0x1  }
0x137: {  	v0 =	vld.idx.msk [tilespmem:v0+s3+$0x0], $0xffff;
	_ =	sdelay $0x4  }
0x138: {  	v2 =	vld [tilespmem:s0+$0x10060];
	[tilespmem:s0+$0x14040] =	vst v0  }
0x139: {  	v0 =	vld.idx.msk [tilespmem:v1+s3+$0x0], $0xffff;
	_ =	sdelay $0x4  }
0x13a: {  	[tilespmem:s0+$0x14050] =	vst v0;
	v0 =	vld [tilespmem:s0+$0x10070];
	_ =	sdelay $0x1  }
0x13b: {  	v1 =	vld.idx.msk [tilespmem:v2+s3+$0x0], $0xffff;
	_ =	sdelay $0x3  }
0x13c: {  	s2 =	simm.s32 $0x400;
	s5 =	simm.s32 $0x80  }
.LBB2_10:
0x13d: {  	p0 =	sne.s32 s2, $0x7E00;
	v2 =	vld [tilespmem:s5+$0x10000];
	[tilespmem:s0+$0x14060] =	vst v1  }
0x13e: {  	v0 =	vld.idx.msk [tilespmem:v0+s3+$0x0], $0xffff;
	_ =	sdelay $0x5  }
0x13f: {  	v1 =	vld [tilespmem:s5+$0x10010];
	[tilespmem:s0+$0x14070] =	vst v0;
	s0 =	smov.u32 s5  }
0x140: {  	v0 =	vld.idx.msk [tilespmem:v2+s3+$0x0], $0xffff;
	_ =	sdelay $0x5  }
0x141: {  	[tilespmem:s0+$0x14000] =	vst v0;
	v0 =	vld [tilespmem:s0+$0x10020]  }
0x142: {  	v1 =	vld.idx.msk [tilespmem:v1+s3+$0x0], $0xffff;
	_ =	sdelay $0x5  }
0x143: {  	[tilespmem:s0+$0x14010] =	vst v1;
	v1 =	vld [tilespmem:s0+$0x10030]  }
0x144: {  	v0 =	vld.idx.msk [tilespmem:v0+s3+$0x0], $0xffff;
	_ =	sdelay $0x5  }
0x145: {  	[tilespmem:s0+$0x14020] =	vst v0;
	v0 =	vld [tilespmem:s0+$0x10040]  }
0x146: {  	v1 =	vld.idx.msk [tilespmem:v1+s3+$0x0], $0xffff;
	_ =	sdelay $0x5  }
0x147: {  	[tilespmem:s0+$0x14030] =	vst v1;
	v1 =	vld [tilespmem:s0+$0x10050]  }
0x148: {  	v0 =	vld.idx.msk [tilespmem:v0+s3+$0x0], $0xffff;
	_ =	sdelay $0x5  }
0x149: {  	[tilespmem:s0+$0x14040] =	vst v0;
	v2 =	vld [tilespmem:s0+$0x10060]  }
0x14a: {  	v0 =	vld.idx.msk [tilespmem:v1+s3+$0x0], $0xffff;
	_ =	sdelay $0x5  }
0x14b: {  	[tilespmem:s0+$0x14050] =	vst v0;
	v0 =	vld [tilespmem:s0+$0x10070]  }
0x14c: {  	v1 =	vld.idx.msk [tilespmem:v2+s3+$0x0], $0xffff  }
.Ltmp4:
0x14d: {  	(pc) =	sbr.rel @p0 .LBB2_10-.Ltmp4, $2  }
0x14e: {  	_ =	sdelay $0x2  }
0x14f: {  	s5 =	sshra.s32 s2, $0x2;
	s2 =	sadd.s32 $0x200, s2  }
0x150: {  	_ =	sdelay $0x1  }
0x151: {  	v2 =	vld [tilespmem:s5+$0x10000]  }
0x152: {  	[tilespmem:s0+$0x14060] =	vst v1  }
0x153: {  	v0 =	vld.idx.msk [tilespmem:v0+s3+$0x0], $0xffff;
	_ =	sdelay $0x3  }
0x154: {  	v1 =	vld [tilespmem:s5+$0x10010]  }
0x155: {  	[tilespmem:s0+$0x14070] =	vst v0  }
0x156: {  	v0 =	vld.idx.msk [tilespmem:v2+s3+$0x0], $0xffff;
	_ =	sdelay $0x4  }
0x157: {  	[tilespmem:s5+$0x14000] =	vst v0;
	v0 =	vld [tilespmem:s5+$0x10020]  }
0x158: {  	v1 =	vld.idx.msk [tilespmem:v1+s3+$0x0], $0xffff;
	_ =	sdelay $0x4  }
0x159: {  	[tilespmem:s5+$0x14010] =	vst v1;
	v1 =	vld [tilespmem:s5+$0x10030];
	_ =	sdelay $0x1  }
0x15a: {  	v0 =	vld.idx.msk [tilespmem:v0+s3+$0x0], $0xffff;
	_ =	sdelay $0x4  }
0x15b: {  	[tilespmem:s5+$0x14020] =	vst v0;
	v0 =	vld [tilespmem:s5+$0x10040]  }
0x15c: {  	v1 =	vld.idx.msk [tilespmem:v1+s3+$0x0], $0xffff;
	_ =	sdelay $0x4  }
0x15d: {  	[tilespmem:s5+$0x14030] =	vst v1;
	v1 =	vld [tilespmem:s5+$0x10050];
	_ =	sdelay $0x1  }
0x15e: {  	v0 =	vld.idx.msk [tilespmem:v0+s3+$0x0], $0xffff;
	_ =	sdelay $0x4  }
0x15f: {  	[tilespmem:s5+$0x14040] =	vst v0;
	v0 =	vld [tilespmem:s5+$0x10060]  }
0x160: {  	v1 =	vld.idx.msk [tilespmem:v1+s3+$0x0], $0xffff;
	_ =	sdelay $0x4  }
0x161: {  	[tilespmem:s5+$0x14050] =	vst v1;
	v1 =	vld [tilespmem:s5+$0x10070];
	_ =	sdelay $0x1  }
0x162: {  	v0 =	vld.idx.msk [tilespmem:v0+s3+$0x0], $0xffff;
	_ =	sdelay $0x4  }
0x163: {  	[tilespmem:s5+$0x14060] =	vst v0  }
0x164: {  	v0 =	vld.idx.msk [tilespmem:v1+s3+$0x0], $0xffff;
	_ =	sdelay $0x4  }
0x165: {  	[tilespmem:s5+$0x14070] =	vst v0;
	s5 =	simm.s32 $0x0  }
0x166: {  	[hbm4b:s14+s5] =	stream.linear.scatter [tilespmem:s28], [sflag:$0x2], $0x2000, $0x38;
	[tilespmem:$0x18000] =	vst v63  }
0x167: {  	_ = 	snop  }
0x168: {  	[tilespmem:s23], [sflag:$0x1] =	stream.linear.gather [hbm4b:s15+s5], $0x2000, $0x38;
	[tilespmem:$0x18000] =	vst v63  }
0x169: {  	_ =	swait.ge [sflag:s26], $0x2000  }
0x16a: {  	[sflag:s26] =	ssyncset.done $0x0  }
0x16b: {  	[sflag:s26] =	ssyncadd.s32 $0xFFFFE000  }
0x16c: {  	_ =	swait.ge [sflag:s30], $0x2000  }
0x16d: {  	[sflag:s30] =	ssyncset.done $0x0  }
0x16e: {  	s0 =	simm.s32 $0x0;
	[sflag:s30] =	ssyncadd.s32 $0xFFFFE000  }
0x16f: {  	v0 =	vld [tilespmem:s0+$0x12000];
	_ =	sdelay $0x5  }
0x170: {  	v1 =	vld [tilespmem:s0+$0x12010];
	_ =	sdelay $0x1  }
0x171: {  	v0 =	vld.idx.msk [tilespmem:v0+s3+$0x0], $0xffff;
	_ =	sdelay $0x4  }
0x172: {  	[tilespmem:s0+$0x16000] =	vst v0;
	v0 =	vld [tilespmem:s0+$0x12020]  }
0x173: {  	v1 =	vld.idx.msk [tilespmem:v1+s3+$0x0], $0xffff;
	_ =	sdelay $0x4  }
0x174: {  	[tilespmem:s0+$0x16010] =	vst v1;
	v1 =	vld [tilespmem:s0+$0x12030];
	_ =	sdelay $0x1  }
0x175: {  	v0 =	vld.idx.msk [tilespmem:v0+s3+$0x0], $0xffff;
	_ =	sdelay $0x4  }
0x176: {  	[tilespmem:s0+$0x16020] =	vst v0;
	v0 =	vld [tilespmem:s0+$0x12040]  }
0x177: {  	v1 =	vld.idx.msk [tilespmem:v1+s3+$0x0], $0xffff;
	_ =	sdelay $0x4  }
0x178: {  	[tilespmem:s0+$0x16030] =	vst v1;
	v1 =	vld [tilespmem:s0+$0x12050];
	_ =	sdelay $0x1  }
0x179: {  	v0 =	vld.idx.msk [tilespmem:v0+s3+$0x0], $0xffff;
	_ =	sdelay $0x4  }
0x17a: {  	v2 =	vld [tilespmem:s0+$0x12060];
	[tilespmem:s0+$0x16040] =	vst v0  }
0x17b: {  	v0 =	vld.idx.msk [tilespmem:v1+s3+$0x0], $0xffff;
	_ =	sdelay $0x4  }
0x17c: {  	[tilespmem:s0+$0x16050] =	vst v0;
	v0 =	vld [tilespmem:s0+$0x12070];
	_ =	sdelay $0x1  }
0x17d: {  	v1 =	vld.idx.msk [tilespmem:v2+s3+$0x0], $0xffff;
	_ =	sdelay $0x3  }
0x17e: {  	s2 =	simm.s32 $0x400;
	s5 =	simm.s32 $0x80  }
.LBB2_12:
0x17f: {  	p0 =	sne.s32 s2, $0x7E00;
	v2 =	vld [tilespmem:s5+$0x12000];
	[tilespmem:s0+$0x16060] =	vst v1  }
0x180: {  	v0 =	vld.idx.msk [tilespmem:v0+s3+$0x0], $0xffff;
	_ =	sdelay $0x5  }
0x181: {  	v1 =	vld [tilespmem:s5+$0x12010];
	[tilespmem:s0+$0x16070] =	vst v0;
	s0 =	smov.u32 s5  }
0x182: {  	v0 =	vld.idx.msk [tilespmem:v2+s3+$0x0], $0xffff;
	_ =	sdelay $0x5  }
0x183: {  	[tilespmem:s0+$0x16000] =	vst v0;
	v0 =	vld [tilespmem:s0+$0x12020]  }
0x184: {  	v1 =	vld.idx.msk [tilespmem:v1+s3+$0x0], $0xffff;
	_ =	sdelay $0x5  }
0x185: {  	[tilespmem:s0+$0x16010] =	vst v1;
	v1 =	vld [tilespmem:s0+$0x12030]  }
0x186: {  	v0 =	vld.idx.msk [tilespmem:v0+s3+$0x0], $0xffff;
	_ =	sdelay $0x5  }
0x187: {  	[tilespmem:s0+$0x16020] =	vst v0;
	v0 =	vld [tilespmem:s0+$0x12040]  }
0x188: {  	v1 =	vld.idx.msk [tilespmem:v1+s3+$0x0], $0xffff;
	_ =	sdelay $0x5  }
0x189: {  	[tilespmem:s0+$0x16030] =	vst v1;
	v1 =	vld [tilespmem:s0+$0x12050]  }
0x18a: {  	v0 =	vld.idx.msk [tilespmem:v0+s3+$0x0], $0xffff;
	_ =	sdelay $0x5  }
0x18b: {  	[tilespmem:s0+$0x16040] =	vst v0;
	v2 =	vld [tilespmem:s0+$0x12060]  }
0x18c: {  	v0 =	vld.idx.msk [tilespmem:v1+s3+$0x0], $0xffff;
	_ =	sdelay $0x5  }
0x18d: {  	[tilespmem:s0+$0x16050] =	vst v0;
	v0 =	vld [tilespmem:s0+$0x12070]  }
0x18e: {  	v1 =	vld.idx.msk [tilespmem:v2+s3+$0x0], $0xffff  }
.Ltmp5:
0x18f: {  	(pc) =	sbr.rel @p0 .LBB2_12-.Ltmp5, $2  }
0x190: {  	_ =	sdelay $0x2  }
0x191: {  	s5 =	sshra.s32 s2, $0x2;
	s2 =	sadd.s32 $0x200, s2  }
0x192: {  	_ =	sdelay $0x1  }
0x193: {  	v2 =	vld [tilespmem:s5+$0x12000]  }
0x194: {  	[tilespmem:s0+$0x16060] =	vst v1  }
0x195: {  	v0 =	vld.idx.msk [tilespmem:v0+s3+$0x0], $0xffff;
	_ =	sdelay $0x3  }
0x196: {  	v1 =	vld [tilespmem:s5+$0x12010]  }
0x197: {  	[tilespmem:s0+$0x16070] =	vst v0  }
0x198: {  	v0 =	vld.idx.msk [tilespmem:v2+s3+$0x0], $0xffff;
	_ =	sdelay $0x4  }
0x199: {  	[tilespmem:s5+$0x16000] =	vst v0;
	v0 =	vld [tilespmem:s5+$0x12020]  }
0x19a: {  	v1 =	vld.idx.msk [tilespmem:v1+s3+$0x0], $0xffff;
	_ =	sdelay $0x4  }
0x19b: {  	[tilespmem:s5+$0x16010] =	vst v1;
	v1 =	vld [tilespmem:s5+$0x12030];
	_ =	sdelay $0x1  }
0x19c: {  	v0 =	vld.idx.msk [tilespmem:v0+s3+$0x0], $0xffff;
	_ =	sdelay $0x4  }
0x19d: {  	[tilespmem:s5+$0x16020] =	vst v0;
	v0 =	vld [tilespmem:s5+$0x12040]  }
0x19e: {  	v1 =	vld.idx.msk [tilespmem:v1+s3+$0x0], $0xffff;
	_ =	sdelay $0x4  }
0x19f: {  	[tilespmem:s5+$0x16030] =	vst v1;
	v1 =	vld [tilespmem:s5+$0x12050];
	_ =	sdelay $0x1  }
0x1a0: {  	v0 =	vld.idx.msk [tilespmem:v0+s3+$0x0], $0xffff;
	_ =	sdelay $0x4  }
0x1a1: {  	[tilespmem:s5+$0x16040] =	vst v0;
	v0 =	vld [tilespmem:s5+$0x12060]  }
0x1a2: {  	v1 =	vld.idx.msk [tilespmem:v1+s3+$0x0], $0xffff;
	_ =	sdelay $0x4  }
0x1a3: {  	[tilespmem:s5+$0x16050] =	vst v1;
	v1 =	vld [tilespmem:s5+$0x12070];
	_ =	sdelay $0x1  }
0x1a4: {  	v0 =	vld.idx.msk [tilespmem:v0+s3+$0x0], $0xffff;
	_ =	sdelay $0x4  }
0x1a5: {  	[tilespmem:s5+$0x16060] =	vst v0  }
0x1a6: {  	v0 =	vld.idx.msk [tilespmem:v1+s3+$0x0], $0xffff;
	_ =	sdelay $0x4  }
0x1a7: {  	[tilespmem:s5+$0x16070] =	vst v0;
	s5 =	simm.s32 $0x0  }
0x1a8: {  	[hbm4b:s16+s5] =	stream.linear.scatter [tilespmem:s29], [sflag:$0x2], $0x2000, $0x38;
	[tilespmem:$0x18000] =	vst v63  }
0x1a9: {  	_ = 	snop  }
0x1aa: {  	[tilespmem:s25], [sflag:$0x1] =	stream.linear.gather [hbm4b:s17+s5], $0x2000, $0x38;
	[tilespmem:$0x18000] =	vst v63  }
0x1ab: {  	_ =	swait.ge [sflag:s26], $0x2000  }
0x1ac: {  	[sflag:s26] =	ssyncset.done $0x0  }
0x1ad: {  	[sflag:s26] =	ssyncadd.s32 $0xFFFFE000  }
0x1ae: {  	_ =	swait.ge [sflag:s30], $0x2000  }
0x1af: {  	[sflag:s30] =	ssyncset.done $0x0  }
0x1b0: {  	s0 =	simm.s32 $0x0;
	[sflag:s30] =	ssyncadd.s32 $0xFFFFE000  }
0x1b1: {  	v0 =	vld [tilespmem:s0+$0x10000];
	_ =	sdelay $0x5  }
0x1b2: {  	v1 =	vld [tilespmem:s0+$0x10010];
	_ =	sdelay $0x1  }
0x1b3: {  	v0 =	vld.idx.msk [tilespmem:v0+s3+$0x0], $0xffff;
	_ =	sdelay $0x4  }
0x1b4: {  	[tilespmem:s0+$0x14000] =	vst v0;
	v0 =	vld [tilespmem:s0+$0x10020]  }
0x1b5: {  	v1 =	vld.idx.msk [tilespmem:v1+s3+$0x0], $0xffff;
	_ =	sdelay $0x4  }
0x1b6: {  	[tilespmem:s0+$0x14010] =	vst v1;
	v1 =	vld [tilespmem:s0+$0x10030];
	_ =	sdelay $0x1  }
0x1b7: {  	v0 =	vld.idx.msk [tilespmem:v0+s3+$0x0], $0xffff;
	_ =	sdelay $0x4  }
0x1b8: {  	[tilespmem:s0+$0x14020] =	vst v0;
	v0 =	vld [tilespmem:s0+$0x10040]  }
0x1b9: {  	v1 =	vld.idx.msk [tilespmem:v1+s3+$0x0], $0xffff;
	_ =	sdelay $0x4  }
0x1ba: {  	[tilespmem:s0+$0x14030] =	vst v1;
	v1 =	vld [tilespmem:s0+$0x10050];
	_ =	sdelay $0x1  }
0x1bb: {  	v0 =	vld.idx.msk [tilespmem:v0+s3+$0x0], $0xffff;
	_ =	sdelay $0x4  }
0x1bc: {  	v2 =	vld [tilespmem:s0+$0x10060];
	[tilespmem:s0+$0x14040] =	vst v0  }
0x1bd: {  	v0 =	vld.idx.msk [tilespmem:v1+s3+$0x0], $0xffff;
	_ =	sdelay $0x4  }
0x1be: {  	[tilespmem:s0+$0x14050] =	vst v0;
	v0 =	vld [tilespmem:s0+$0x10070];
	_ =	sdelay $0x1  }
0x1bf: {  	v1 =	vld.idx.msk [tilespmem:v2+s3+$0x0], $0xffff;
	_ =	sdelay $0x3  }
0x1c0: {  	s2 =	simm.s32 $0x400;
	s5 =	simm.s32 $0x80  }
.LBB2_14:
0x1c1: {  	p0 =	sne.s32 s2, $0x7E00;
	v2 =	vld [tilespmem:s5+$0x10000];
	[tilespmem:s0+$0x14060] =	vst v1  }
0x1c2: {  	v0 =	vld.idx.msk [tilespmem:v0+s3+$0x0], $0xffff;
	_ =	sdelay $0x5  }
0x1c3: {  	v1 =	vld [tilespmem:s5+$0x10010];
	[tilespmem:s0+$0x14070] =	vst v0;
	s0 =	smov.u32 s5  }
0x1c4: {  	v0 =	vld.idx.msk [tilespmem:v2+s3+$0x0], $0xffff;
	_ =	sdelay $0x5  }
0x1c5: {  	[tilespmem:s0+$0x14000] =	vst v0;
	v0 =	vld [tilespmem:s0+$0x10020]  }
0x1c6: {  	v1 =	vld.idx.msk [tilespmem:v1+s3+$0x0], $0xffff;
	_ =	sdelay $0x5  }
0x1c7: {  	[tilespmem:s0+$0x14010] =	vst v1;
	v1 =	vld [tilespmem:s0+$0x10030]  }
0x1c8: {  	v0 =	vld.idx.msk [tilespmem:v0+s3+$0x0], $0xffff;
	_ =	sdelay $0x5  }
0x1c9: {  	[tilespmem:s0+$0x14020] =	vst v0;
	v0 =	vld [tilespmem:s0+$0x10040]  }
0x1ca: {  	v1 =	vld.idx.msk [tilespmem:v1+s3+$0x0], $0xffff;
	_ =	sdelay $0x5  }
0x1cb: {  	[tilespmem:s0+$0x14030] =	vst v1;
	v1 =	vld [tilespmem:s0+$0x10050]  }
0x1cc: {  	v0 =	vld.idx.msk [tilespmem:v0+s3+$0x0], $0xffff;
	_ =	sdelay $0x5  }
0x1cd: {  	[tilespmem:s0+$0x14040] =	vst v0;
	v2 =	vld [tilespmem:s0+$0x10060]  }
0x1ce: {  	v0 =	vld.idx.msk [tilespmem:v1+s3+$0x0], $0xffff;
	_ =	sdelay $0x5  }
0x1cf: {  	[tilespmem:s0+$0x14050] =	vst v0;
	v0 =	vld [tilespmem:s0+$0x10070]  }
0x1d0: {  	v1 =	vld.idx.msk [tilespmem:v2+s3+$0x0], $0xffff  }
.Ltmp6:
0x1d1: {  	(pc) =	sbr.rel @p0 .LBB2_14-.Ltmp6, $2  }
0x1d2: {  	_ =	sdelay $0x2  }
0x1d3: {  	s5 =	sshra.s32 s2, $0x2;
	s2 =	sadd.s32 $0x200, s2  }
0x1d4: {  	_ =	sdelay $0x1  }
0x1d5: {  	v2 =	vld [tilespmem:s5+$0x10000]  }
0x1d6: {  	[tilespmem:s0+$0x14060] =	vst v1  }
0x1d7: {  	v0 =	vld.idx.msk [tilespmem:v0+s3+$0x0], $0xffff;
	_ =	sdelay $0x3  }
0x1d8: {  	v1 =	vld [tilespmem:s5+$0x10010]  }
0x1d9: {  	[tilespmem:s0+$0x14070] =	vst v0  }
0x1da: {  	v0 =	vld.idx.msk [tilespmem:v2+s3+$0x0], $0xffff;
	_ =	sdelay $0x4  }
0x1db: {  	[tilespmem:s5+$0x14000] =	vst v0;
	v0 =	vld [tilespmem:s5+$0x10020]  }
0x1dc: {  	v1 =	vld.idx.msk [tilespmem:v1+s3+$0x0], $0xffff;
	_ =	sdelay $0x4  }
0x1dd: {  	[tilespmem:s5+$0x14010] =	vst v1;
	v1 =	vld [tilespmem:s5+$0x10030];
	_ =	sdelay $0x1  }
0x1de: {  	v0 =	vld.idx.msk [tilespmem:v0+s3+$0x0], $0xffff;
	_ =	sdelay $0x4  }
0x1df: {  	[tilespmem:s5+$0x14020] =	vst v0;
	v0 =	vld [tilespmem:s5+$0x10040]  }
0x1e0: {  	v1 =	vld.idx.msk [tilespmem:v1+s3+$0x0], $0xffff;
	_ =	sdelay $0x4  }
0x1e1: {  	[tilespmem:s5+$0x14030] =	vst v1;
	v1 =	vld [tilespmem:s5+$0x10050];
	_ =	sdelay $0x1  }
0x1e2: {  	v0 =	vld.idx.msk [tilespmem:v0+s3+$0x0], $0xffff;
	_ =	sdelay $0x4  }
0x1e3: {  	[tilespmem:s5+$0x14040] =	vst v0;
	v0 =	vld [tilespmem:s5+$0x10060]  }
0x1e4: {  	v1 =	vld.idx.msk [tilespmem:v1+s3+$0x0], $0xffff;
	_ =	sdelay $0x4  }
0x1e5: {  	[tilespmem:s5+$0x14050] =	vst v1;
	v1 =	vld [tilespmem:s5+$0x10070];
	_ =	sdelay $0x1  }
0x1e6: {  	v0 =	vld.idx.msk [tilespmem:v0+s3+$0x0], $0xffff;
	_ =	sdelay $0x4  }
0x1e7: {  	[tilespmem:s5+$0x14060] =	vst v0  }
0x1e8: {  	v0 =	vld.idx.msk [tilespmem:v1+s3+$0x0], $0xffff;
	_ =	sdelay $0x4  }
0x1e9: {  	[tilespmem:s5+$0x14070] =	vst v0;
	s5 =	simm.s32 $0x0  }
0x1ea: {  	[hbm4b:s18+s5] =	stream.linear.scatter [tilespmem:s28], [sflag:$0x2], $0x2000, $0x38;
	[tilespmem:$0x18000] =	vst v63  }
0x1eb: {  	_ = 	snop  }
0x1ec: {  	[tilespmem:s23], [sflag:$0x1] =	stream.linear.gather [hbm4b:s19+s5], $0x2000, $0x38;
	[tilespmem:$0x18000] =	vst v63  }
0x1ed: {  	_ =	swait.ge [sflag:s26], $0x2000  }
0x1ee: {  	[sflag:s26] =	ssyncset.done $0x0  }
0x1ef: {  	[sflag:s26] =	ssyncadd.s32 $0xFFFFE000  }
0x1f0: {  	_ =	swait.ge [sflag:s30], $0x2000  }
0x1f1: {  	[sflag:s30] =	ssyncset.done $0x0  }
0x1f2: {  	s0 =	simm.s32 $0x0;
	[sflag:s30] =	ssyncadd.s32 $0xFFFFE000  }
0x1f3: {  	v0 =	vld [tilespmem:s0+$0x12000];
	_ =	sdelay $0x5  }
0x1f4: {  	v1 =	vld [tilespmem:s0+$0x12010];
	_ =	sdelay $0x1  }
0x1f5: {  	v0 =	vld.idx.msk [tilespmem:v0+s3+$0x0], $0xffff;
	_ =	sdelay $0x4  }
0x1f6: {  	[tilespmem:s0+$0x16000] =	vst v0;
	v0 =	vld [tilespmem:s0+$0x12020]  }
0x1f7: {  	v1 =	vld.idx.msk [tilespmem:v1+s3+$0x0], $0xffff;
	_ =	sdelay $0x4  }
0x1f8: {  	[tilespmem:s0+$0x16010] =	vst v1;
	v1 =	vld [tilespmem:s0+$0x12030];
	_ =	sdelay $0x1  }
0x1f9: {  	v0 =	vld.idx.msk [tilespmem:v0+s3+$0x0], $0xffff;
	_ =	sdelay $0x4  }
0x1fa: {  	[tilespmem:s0+$0x16020] =	vst v0;
	v0 =	vld [tilespmem:s0+$0x12040]  }
0x1fb: {  	v1 =	vld.idx.msk [tilespmem:v1+s3+$0x0], $0xffff;
	_ =	sdelay $0x4  }
0x1fc: {  	[tilespmem:s0+$0x16030] =	vst v1;
	v1 =	vld [tilespmem:s0+$0x12050];
	_ =	sdelay $0x1  }
0x1fd: {  	v0 =	vld.idx.msk [tilespmem:v0+s3+$0x0], $0xffff;
	_ =	sdelay $0x4  }
0x1fe: {  	v2 =	vld [tilespmem:s0+$0x12060];
	[tilespmem:s0+$0x16040] =	vst v0  }
0x1ff: {  	v0 =	vld.idx.msk [tilespmem:v1+s3+$0x0], $0xffff;
	_ =	sdelay $0x4  }
0x200: {  	[tilespmem:s0+$0x16050] =	vst v0;
	v0 =	vld [tilespmem:s0+$0x12070];
	_ =	sdelay $0x1  }
0x201: {  	v1 =	vld.idx.msk [tilespmem:v2+s3+$0x0], $0xffff;
	_ =	sdelay $0x3  }
0x202: {  	s2 =	simm.s32 $0x400;
	s5 =	simm.s32 $0x80  }
.LBB2_16:
0x203: {  	p0 =	sne.s32 s2, $0x7E00;
	v2 =	vld [tilespmem:s5+$0x12000];
	[tilespmem:s0+$0x16060] =	vst v1  }
0x204: {  	v0 =	vld.idx.msk [tilespmem:v0+s3+$0x0], $0xffff;
	_ =	sdelay $0x5  }
0x205: {  	v1 =	vld [tilespmem:s5+$0x12010];
	[tilespmem:s0+$0x16070] =	vst v0;
	s0 =	smov.u32 s5  }
0x206: {  	v0 =	vld.idx.msk [tilespmem:v2+s3+$0x0], $0xffff;
	_ =	sdelay $0x5  }
0x207: {  	[tilespmem:s0+$0x16000] =	vst v0;
	v0 =	vld [tilespmem:s0+$0x12020]  }
0x208: {  	v1 =	vld.idx.msk [tilespmem:v1+s3+$0x0], $0xffff;
	_ =	sdelay $0x5  }
0x209: {  	[tilespmem:s0+$0x16010] =	vst v1;
	v1 =	vld [tilespmem:s0+$0x12030]  }
0x20a: {  	v0 =	vld.idx.msk [tilespmem:v0+s3+$0x0], $0xffff;
	_ =	sdelay $0x5  }
0x20b: {  	[tilespmem:s0+$0x16020] =	vst v0;
	v0 =	vld [tilespmem:s0+$0x12040]  }
0x20c: {  	v1 =	vld.idx.msk [tilespmem:v1+s3+$0x0], $0xffff;
	_ =	sdelay $0x5  }
0x20d: {  	[tilespmem:s0+$0x16030] =	vst v1;
	v1 =	vld [tilespmem:s0+$0x12050]  }
0x20e: {  	v0 =	vld.idx.msk [tilespmem:v0+s3+$0x0], $0xffff;
	_ =	sdelay $0x5  }
0x20f: {  	[tilespmem:s0+$0x16040] =	vst v0;
	v2 =	vld [tilespmem:s0+$0x12060]  }
0x210: {  	v0 =	vld.idx.msk [tilespmem:v1+s3+$0x0], $0xffff;
	_ =	sdelay $0x5  }
0x211: {  	[tilespmem:s0+$0x16050] =	vst v0;
	v0 =	vld [tilespmem:s0+$0x12070]  }
0x212: {  	v1 =	vld.idx.msk [tilespmem:v2+s3+$0x0], $0xffff  }
.Ltmp7:
0x213: {  	(pc) =	sbr.rel @p0 .LBB2_16-.Ltmp7, $2  }
0x214: {  	_ =	sdelay $0x2  }
0x215: {  	s5 =	sshra.s32 s2, $0x2;
	s2 =	sadd.s32 $0x200, s2  }
0x216: {  	_ =	sdelay $0x1  }
0x217: {  	v2 =	vld [tilespmem:s5+$0x12000]  }
0x218: {  	[tilespmem:s0+$0x16060] =	vst v1  }
0x219: {  	v0 =	vld.idx.msk [tilespmem:v0+s3+$0x0], $0xffff;
	_ =	sdelay $0x3  }
0x21a: {  	v1 =	vld [tilespmem:s5+$0x12010]  }
0x21b: {  	[tilespmem:s0+$0x16070] =	vst v0  }
0x21c: {  	v0 =	vld.idx.msk [tilespmem:v2+s3+$0x0], $0xffff;
	_ =	sdelay $0x4  }
0x21d: {  	[tilespmem:s5+$0x16000] =	vst v0;
	v0 =	vld [tilespmem:s5+$0x12020]  }
0x21e: {  	v1 =	vld.idx.msk [tilespmem:v1+s3+$0x0], $0xffff;
	_ =	sdelay $0x4  }
0x21f: {  	[tilespmem:s5+$0x16010] =	vst v1;
	v1 =	vld [tilespmem:s5+$0x12030];
	_ =	sdelay $0x1  }
0x220: {  	v0 =	vld.idx.msk [tilespmem:v0+s3+$0x0], $0xffff;
	_ =	sdelay $0x4  }
0x221: {  	[tilespmem:s5+$0x16020] =	vst v0;
	v0 =	vld [tilespmem:s5+$0x12040]  }
0x222: {  	v1 =	vld.idx.msk [tilespmem:v1+s3+$0x0], $0xffff;
	_ =	sdelay $0x4  }
0x223: {  	[tilespmem:s5+$0x16030] =	vst v1;
	v1 =	vld [tilespmem:s5+$0x12050];
	_ =	sdelay $0x1  }
0x224: {  	v0 =	vld.idx.msk [tilespmem:v0+s3+$0x0], $0xffff;
	_ =	sdelay $0x4  }
0x225: {  	[tilespmem:s5+$0x16040] =	vst v0;
	v0 =	vld [tilespmem:s5+$0x12060]  }
0x226: {  	v1 =	vld.idx.msk [tilespmem:v1+s3+$0x0], $0xffff;
	_ =	sdelay $0x4  }
0x227: {  	[tilespmem:s5+$0x16050] =	vst v1;
	v1 =	vld [tilespmem:s5+$0x12070];
	_ =	sdelay $0x1  }
0x228: {  	v0 =	vld.idx.msk [tilespmem:v0+s3+$0x0], $0xffff;
	_ =	sdelay $0x4  }
0x229: {  	[tilespmem:s5+$0x16060] =	vst v0  }
0x22a: {  	v0 =	vld.idx.msk [tilespmem:v1+s3+$0x0], $0xffff;
	_ =	sdelay $0x4  }
0x22b: {  	[tilespmem:s5+$0x16070] =	vst v0;
	s5 =	simm.s32 $0x0  }
0x22c: {  	[hbm4b:s20+s5] =	stream.linear.scatter [tilespmem:s29], [sflag:$0x2], $0x2000, $0x38;
	[tilespmem:$0x18000] =	vst v63  }
0x22d: {  	_ =	swait.ge [sflag:s26], $0x2000  }
0x22e: {  	[sflag:s26] =	ssyncset.done $0x0  }
0x22f: {  	[sflag:s26] =	ssyncadd.s32 $0xFFFFE000  }
0x230: {  	_ =	swait.ge [sflag:s30], $0x2000  }
0x231: {  	[sflag:s30] =	ssyncset.done $0x0  }
0x232: {  	s0 =	simm.s32 $0x0;
	[sflag:s30] =	ssyncadd.s32 $0xFFFFE000  }
0x233: {  	v0 =	vld [tilespmem:s0+$0x10000];
	_ =	sdelay $0x5  }
0x234: {  	v1 =	vld [tilespmem:s0+$0x10010];
	_ =	sdelay $0x1  }
0x235: {  	v0 =	vld.idx.msk [tilespmem:v0+s3+$0x0], $0xffff;
	_ =	sdelay $0x4  }
0x236: {  	[tilespmem:s0+$0x14000] =	vst v0;
	v0 =	vld [tilespmem:s0+$0x10020]  }
0x237: {  	v1 =	vld.idx.msk [tilespmem:v1+s3+$0x0], $0xffff;
	_ =	sdelay $0x4  }
0x238: {  	[tilespmem:s0+$0x14010] =	vst v1;
	v1 =	vld [tilespmem:s0+$0x10030];
	_ =	sdelay $0x1  }
0x239: {  	v0 =	vld.idx.msk [tilespmem:v0+s3+$0x0], $0xffff;
	_ =	sdelay $0x4  }
0x23a: {  	[tilespmem:s0+$0x14020] =	vst v0;
	v0 =	vld [tilespmem:s0+$0x10040]  }
0x23b: {  	v1 =	vld.idx.msk [tilespmem:v1+s3+$0x0], $0xffff;
	_ =	sdelay $0x4  }
0x23c: {  	[tilespmem:s0+$0x14030] =	vst v1;
	v1 =	vld [tilespmem:s0+$0x10050];
	_ =	sdelay $0x1  }
0x23d: {  	v0 =	vld.idx.msk [tilespmem:v0+s3+$0x0], $0xffff;
	_ =	sdelay $0x4  }
0x23e: {  	v2 =	vld [tilespmem:s0+$0x10060];
	[tilespmem:s0+$0x14040] =	vst v0  }
0x23f: {  	v0 =	vld.idx.msk [tilespmem:v1+s3+$0x0], $0xffff;
	_ =	sdelay $0x4  }
0x240: {  	[tilespmem:s0+$0x14050] =	vst v0;
	v0 =	vld [tilespmem:s0+$0x10070];
	_ =	sdelay $0x1  }
0x241: {  	v1 =	vld.idx.msk [tilespmem:v2+s3+$0x0], $0xffff;
	_ =	sdelay $0x3  }
0x242: {  	s2 =	simm.s32 $0x400;
	s5 =	simm.s32 $0x80  }
.LBB2_18:
0x243: {  	p0 =	sne.s32 s2, $0x7E00;
	v2 =	vld [tilespmem:s5+$0x10000];
	[tilespmem:s0+$0x14060] =	vst v1  }
0x244: {  	v0 =	vld.idx.msk [tilespmem:v0+s3+$0x0], $0xffff;
	_ =	sdelay $0x5  }
0x245: {  	v1 =	vld [tilespmem:s5+$0x10010];
	[tilespmem:s0+$0x14070] =	vst v0;
	s0 =	smov.u32 s5  }
0x246: {  	v0 =	vld.idx.msk [tilespmem:v2+s3+$0x0], $0xffff;
	_ =	sdelay $0x5  }
0x247: {  	[tilespmem:s0+$0x14000] =	vst v0;
	v0 =	vld [tilespmem:s0+$0x10020]  }
0x248: {  	v1 =	vld.idx.msk [tilespmem:v1+s3+$0x0], $0xffff;
	_ =	sdelay $0x5  }
0x249: {  	[tilespmem:s0+$0x14010] =	vst v1;
	v1 =	vld [tilespmem:s0+$0x10030]  }
0x24a: {  	v0 =	vld.idx.msk [tilespmem:v0+s3+$0x0], $0xffff;
	_ =	sdelay $0x5  }
0x24b: {  	[tilespmem:s0+$0x14020] =	vst v0;
	v0 =	vld [tilespmem:s0+$0x10040]  }
0x24c: {  	v1 =	vld.idx.msk [tilespmem:v1+s3+$0x0], $0xffff;
	_ =	sdelay $0x5  }
0x24d: {  	[tilespmem:s0+$0x14030] =	vst v1;
	v1 =	vld [tilespmem:s0+$0x10050]  }
0x24e: {  	v0 =	vld.idx.msk [tilespmem:v0+s3+$0x0], $0xffff;
	_ =	sdelay $0x5  }
0x24f: {  	[tilespmem:s0+$0x14040] =	vst v0;
	v2 =	vld [tilespmem:s0+$0x10060]  }
0x250: {  	v0 =	vld.idx.msk [tilespmem:v1+s3+$0x0], $0xffff;
	_ =	sdelay $0x5  }
0x251: {  	[tilespmem:s0+$0x14050] =	vst v0;
	v0 =	vld [tilespmem:s0+$0x10070]  }
0x252: {  	v1 =	vld.idx.msk [tilespmem:v2+s3+$0x0], $0xffff  }
.Ltmp8:
0x253: {  	(pc) =	sbr.rel @p0 .LBB2_18-.Ltmp8, $2  }
0x254: {  	_ =	sdelay $0x2  }
0x255: {  	s5 =	sshra.s32 s2, $0x2;
	s2 =	sadd.s32 $0x200, s2  }
0x256: {  	_ =	sdelay $0x1  }
0x257: {  	v2 =	vld [tilespmem:s5+$0x10000]  }
0x258: {  	[tilespmem:s0+$0x14060] =	vst v1  }
0x259: {  	v0 =	vld.idx.msk [tilespmem:v0+s3+$0x0], $0xffff;
	_ =	sdelay $0x3  }
0x25a: {  	v1 =	vld [tilespmem:s5+$0x10010]  }
0x25b: {  	[tilespmem:s0+$0x14070] =	vst v0  }
0x25c: {  	v0 =	vld.idx.msk [tilespmem:v2+s3+$0x0], $0xffff;
	_ =	sdelay $0x3  }
0x25d: {  	v58 =	vld [tilespmem:s5+$0x10020]  }
0x25e: {  	[tilespmem:s5+$0x14000] =	vst v0  }
0x25f: {  	v1 =	vld.idx.msk [tilespmem:v1+s3+$0x0], $0xffff;
	_ =	sdelay $0x3  }
0x260: {  	v59 =	vld [tilespmem:s5+$0x10030]  }
0x261: {  	[tilespmem:s5+$0x14010] =	vst v1  }
0x262: {  	v0 =	vld.idx.msk [tilespmem:v58+s3+$0x0], $0xffff;
	_ =	sdelay $0x3  }
0x263: {  	v60 =	vld [tilespmem:s5+$0x10040]  }
0x264: {  	[tilespmem:s5+$0x14020] =	vst v0  }
0x265: {  	v1 =	vld.idx.msk [tilespmem:v59+s3+$0x0], $0xffff;
	_ =	sdelay $0x3  }
0x266: {  	v61 =	vld [tilespmem:s5+$0x10050]  }
0x267: {  	[tilespmem:s5+$0x14030] =	vst v1  }
0x268: {  	v0 =	vld.idx.msk [tilespmem:v60+s3+$0x0], $0xffff;
	_ =	sdelay $0x3  }
0x269: {  	v62 =	vld [tilespmem:s5+$0x10060]  }
0x26a: {  	[tilespmem:s5+$0x14040] =	vst v0  }
0x26b: {  	v1 =	vld.idx.msk [tilespmem:v61+s3+$0x0], $0xffff;
	_ =	sdelay $0x3  }
0x26c: {  	v63 =	vld [tilespmem:s5+$0x10070]  }
0x26d: {  	[tilespmem:s5+$0x14050] =	vst v1  }
0x26e: {  	v0 =	vld.idx.msk [tilespmem:v62+s3+$0x0], $0xffff;
	_ =	sdelay $0x4  }
0x26f: {  	[tilespmem:s5+$0x14060] =	vst v0  }
0x270: {  	v0 =	vld.idx.msk [tilespmem:v63+s3+$0x0], $0xffff;
	_ =	sdelay $0x4  }
0x271: {  	s31 =	sadd.s32 $0x1, s31;
	[tilespmem:s5+$0x14070] =	vst v0  }
0x272: {  	[hbm4b:s21+s3] =	stream.linear.scatter [tilespmem:s28], [sflag:$0x2], $0x2000, $0x38;
	[tilespmem:$0x18000] =	vst v63  }
0x273: {  	p0 =	sne.s32 s31, s22;
	_ =	swait.ge [sflag:s30], $0x2000  }
.Ltmp9:
0x274: {  	[sflag:s30] =	ssyncset.done $0x0;
	(pc) =	sbr.rel @p0 .LBB2_1-.Ltmp9, $4  }
0x275: {  	[sflag:s30] =	ssyncadd.s32 $0xFFFFE000  }
0x276: {  	_ =	swait.ge [sflag:s30], $0x2000  }
0x277: {  	[sflag:s30] =	ssyncset.done $0x0  }
0x278: {  	[sflag:s30] =	ssyncadd.s32 $0xFFFFE000  }
0x279: {  	_ =	sfence.sel $0x180000  }
0x27a: {  	[bflag:$0x0] =	sbarrier.arrive $0xFFFF  }
0x27b: {  	_ =	strace $0x90000047  }
0x27c: {  	s0 =	stileid.u32;
	[bflag:$0x2] =	sbarrier.arrive $0xFFFF  }
0x27d: {  	p0 =	sne.s32 s0, $0x0;
	s0 =	rddreg [dreg:$0x6]  }
0x27e: {  	s0 =	sadd.s32 @!p0 $0x100000, s0  }
0x27f: {  	[sflag:s0] =	ssyncadd.tile.s32 @!p0 $0x1;
	_ =	shalt  }
.Lfunc_end2:
_tile_overlayer_lowered:
.L_overlay_start_2:
0x280: {  	(tag) =	ssettag $0x2  }
0x281: {  	s0 =	rddreg [dreg:$0x0];
	s2 =	stileid.u32  }
0x282: {  	s1 =	rddreg [dreg:$0x1];
	p0 =	sne.s32 s2, $0x0  }
0x283: {  	s3 =	rddreg [dreg:$0x2];
	[bflag:$0x3] =	sbarrier.arrive $0xFFFF;
	s2 =	simm.s32 @!p0 $0x1C03  }
0x284: {  	[timem:s3], [sflag:s2] =	dma.local @!p0 [hbm:s0], s1  }
0x285: {  	s0 =	simm.s32 @!p0 $0x3  }
0x286: {  	_ =	swait.ge @!p0 [sflag:s0], s1  }
0x287: {  	s1 =	ssub.s32 @!p0 $0x0, s1;
	[sflag:s0] =	ssyncset.done @!p0 $0x0  }
0x288: {  	[sflag:s0] =	ssyncadd.s32 @!p0 s1  }
0x289: {  	[bflag:$0x3] =	sbarrier.arrive $0xFFFF  }
0x28a: {  	_ =	shalt  }

</sc_bundles>
